<compile_context>
chip_gen: v7x
topology: tpu7x:2x2x1
jax: 0.10.2.dev20260603
libtpu: 0.0.44.dev20260713+nightly
codegen_flags: <defaults>
</compile_context>

<pallas_src>
import functools

import jax
import jax.numpy as jnp
from jax import lax
from jax.experimental import pallas as pl
from jax.experimental.pallas import tpu as pltpu
from jax.experimental.pallas import tpu_sc as plsc

D_MODEL = 2048
NUM_EXPERTS = 16
NUM_SELECTED = 2
CAPACITY_FACTOR = 1.25
Z_LOSS_COEF = 0.01

TOKEN_BLOCK = 1024
NEG_HUGE = -3.0e38

N_TOKENS = 16384
N_CHUNKS = 1
CHUNK = N_TOKENS // N_CHUNKS
NW = 32
LANES = 16


def _gate_block(w_ref, x0_ref, x1_ref, lt_ref, lse_ref, ent_ref):
    step = pl.program_id(0)

    l0 = lax.dot_general(
        w_ref[...], x0_ref[...],
        dimension_numbers=(((1,), (1,)), ((), ())),
        preferred_element_type=jnp.float32)
    l1 = lax.dot_general(
        w_ref[...], x1_ref[...],
        dimension_numbers=(((1,), (1,)), ((), ())),
        preferred_element_type=jnp.float32)
    logits = jnp.concatenate([l0, l1], axis=1)
    lt_ref[...] = logits

    m = jnp.max(logits, axis=0, keepdims=True)
    e = jnp.exp(logits - m)
    s = jnp.sum(e, axis=0, keepdims=True)
    lse = m + jnp.log(s)
    sel = jnp.sum(e * logits, axis=0, keepdims=True)
    ent = lse - sel / s
    block_lse = jnp.sum(lse)[None, None]
    block_ent = jnp.sum(ent)[None, None]

    @pl.when(step == 0)
    def _init():
        lse_ref[...] = block_lse
        ent_ref[...] = block_ent

    @pl.when(step != 0)
    def _acc():
        lse_ref[...] += block_lse
        ent_ref[...] += block_ent


def _route_sc_body(lt_hbm, oi_hbm, ow_hbm, oc_hbm,
                   lt_v, i1_v, i2_v, w1_v, w2_v, acc_v,
                   *, tok_per_w):
    groups = tok_per_w // LANES
    wid = lax.axis_index("s") * 2 + lax.axis_index("c")
    base = wid * tok_per_w
    pltpu.sync_copy(lt_hbm.at[:, pl.ds(base, tok_per_w)], lt_v)

    zeros = jnp.zeros((LANES,), jnp.float32)
    for e in range(NUM_EXPERTS):
        acc_v[e, :] = zeros

    def body(g, _):
        off = pl.multiple_of(g * LANES, LANES)
        vs = [lt_v[e, pl.ds(off, LANES)] for e in range(NUM_EXPERTS)]

        m = vs[0]
        for e in range(1, NUM_EXPERTS):
            m = jnp.maximum(m, vs[e])

        i1 = jnp.full((LANES,), NUM_EXPERTS, jnp.int32)
        for e in range(NUM_EXPERTS - 1, -1, -1):
            i1 = jnp.where(vs[e] == m, jnp.full((LANES,), e, jnp.int32), i1)

        neg = jnp.full((LANES,), NEG_HUGE, jnp.float32)
        vm = [jnp.where(i1 == jnp.full((LANES,), e, jnp.int32), neg, vs[e])
              for e in range(NUM_EXPERTS)]
        l2 = vm[0]
        for e in range(1, NUM_EXPERTS):
            l2 = jnp.maximum(l2, vm[e])
        i2 = jnp.full((LANES,), NUM_EXPERTS, jnp.int32)
        for e in range(NUM_EXPERTS - 1, -1, -1):
            i2 = jnp.where(vm[e] == l2, jnp.full((LANES,), e, jnp.int32), i2)

        s = jnp.exp(vs[0] - m)
        for e in range(1, NUM_EXPERTS):
            s = s + jnp.exp(vs[e] - m)
        rs = 1.0 / s
        p1 = rs
        p2 = jnp.exp(l2 - m) * rs
        rden = 1.0 / (p1 + p2 + 1e-8)
        w1 = p1 * rden
        w2 = p2 * rden

        i1_v[pl.ds(off, LANES)] = i1
        i2_v[pl.ds(off, LANES)] = i2
        w1_v[pl.ds(off, LANES)] = w1
        w2_v[pl.ds(off, LANES)] = w2

        one = jnp.full((LANES,), 1.0, jnp.float32)
        for e in range(NUM_EXPERTS):
            ide = jnp.full((LANES,), e, jnp.int32)
            hit = jnp.where(i1 == ide, one, zeros) + \
                jnp.where(i2 == ide, one, zeros)
            acc_v[e, :] = acc_v[e, :] + hit
        return 0

    lax.fori_loop(0, groups, body, 0)

    pltpu.sync_copy(i1_v, oi_hbm.at[0, pl.ds(base, tok_per_w)])
    pltpu.sync_copy(i2_v, oi_hbm.at[1, pl.ds(base, tok_per_w)])
    pltpu.sync_copy(w1_v, ow_hbm.at[0, pl.ds(base, tok_per_w)])
    pltpu.sync_copy(w2_v, ow_hbm.at[1, pl.ds(base, tok_per_w)])
    pltpu.sync_copy(acc_v, oc_hbm.at[wid])


@jax.jit
def _router(gate_weight, hidden_flat):
    n_tokens = hidden_flat.shape[0]
    steps = CHUNK // TOKEN_BLOCK
    tok_per_w = CHUNK // NW
    mesh = plsc.VectorSubcoreMesh(core_axis_name="c", subcore_axis_name="s")

    its, wts, accs, lses, ents = [], [], [], [], []
    for c in range(N_CHUNKS):
        lt, lse_sum, ent_sum = pl.pallas_call(
            _gate_block,
            grid=(steps,),
            in_specs=[
                pl.BlockSpec((NUM_EXPERTS, D_MODEL), lambda i: (0, 0)),
                pl.BlockSpec((TOKEN_BLOCK // 2, D_MODEL),
                             lambda i, c=c: (2 * (c * steps + i), 0)),
                pl.BlockSpec((TOKEN_BLOCK // 2, D_MODEL),
                             lambda i, c=c: (2 * (c * steps + i) + 1, 0)),
            ],
            out_specs=(
                pl.BlockSpec((NUM_EXPERTS, TOKEN_BLOCK), lambda i: (0, i)),
                pl.BlockSpec((1, 1), lambda i: (0, 0)),
                pl.BlockSpec((1, 1), lambda i: (0, 0)),
            ),
            out_shape=(
                jax.ShapeDtypeStruct((NUM_EXPERTS, CHUNK), jnp.float32),
                jax.ShapeDtypeStruct((1, 1), jnp.float32),
                jax.ShapeDtypeStruct((1, 1), jnp.float32),
            ),
            compiler_params=pltpu.CompilerParams(
                dimension_semantics=("arbitrary",),
            ),
        )(gate_weight, hidden_flat, hidden_flat)

        route = functools.partial(
            pl.kernel, mesh=mesh,
            out_type=(
                jax.ShapeDtypeStruct((NUM_SELECTED, CHUNK), jnp.int32),
                jax.ShapeDtypeStruct((NUM_SELECTED, CHUNK), jnp.float32),
                jax.ShapeDtypeStruct((NW, NUM_EXPERTS, LANES), jnp.float32),
            ),
            scratch_types=[
                pltpu.VMEM((NUM_EXPERTS, tok_per_w), jnp.float32),
                pltpu.VMEM((tok_per_w,), jnp.int32),
                pltpu.VMEM((tok_per_w,), jnp.int32),
                pltpu.VMEM((tok_per_w,), jnp.float32),
                pltpu.VMEM((tok_per_w,), jnp.float32),
                pltpu.VMEM((NUM_EXPERTS, LANES), jnp.float32),
            ],
        )(functools.partial(_route_sc_body, tok_per_w=tok_per_w))
        it, wt, acc = route(lt)
        its.append(it)
        wts.append(wt)
        accs.append(acc)
        lses.append(lse_sum)
        ents.append(ent_sum)

    it = jnp.concatenate(its, axis=1)
    wt = jnp.concatenate(wts, axis=1)
    acc = sum(accs)
    lse_sum = sum(lses)
    ent_sum = sum(ents)
    return it, wt, acc, lse_sum, ent_sum


def kernel(hidden_states, gate_weight):
    batch_size, seq_len, d_model = hidden_states.shape
    num_tokens = batch_size * seq_len
    hidden_flat = hidden_states.reshape(num_tokens, d_model)

    it, wt, acc, lse_sum, ent_sum = _router(gate_weight, hidden_flat)

    expert_counts = jnp.sum(acc, axis=(0, 2))
    capacity = int(CAPACITY_FACTOR * num_tokens / NUM_EXPERTS * NUM_SELECTED)
    expert_overflow = jnp.sum(jnp.maximum(expert_counts - capacity, 0.0))
    capacity_overflow_pct = expert_overflow / num_tokens * 100.0
    z_loss = lse_sum[0, 0] / num_tokens * Z_LOSS_COEF
    gate_entropy = ent_sum[0, 0] / num_tokens
    expert_load_normalized = expert_counts / jnp.sum(expert_counts)
    ideal_load = 1.0 / NUM_EXPERTS
    expert_load_variance = jnp.mean((expert_load_normalized - ideal_load) ** 2)

    expert_indices = it.T.reshape(batch_size, seq_len, NUM_SELECTED)
    expert_weights = wt.T.reshape(batch_size, seq_len, NUM_SELECTED)
    routing_confidence = wt[0]
    return (expert_indices, expert_weights, expert_counts,
            capacity_overflow_pct, z_loss, gate_entropy,
            expert_load_variance, routing_confidence)

# --- scband reference (transcript-rebuilt; emitter-appended) ---
"""Pipeline reference for scband-top-krouter-89421219103396 (READ-ONLY COPY).

The authoritative reference and input builder live on the scoring server;
editing this copy changes nothing except your own understanding.
"""

import jax, jax.numpy as jnp
import numpy as np

D_MODEL = 2048
NUM_EXPERTS = 16
NUM_SELECTED = 2
CAPACITY_FACTOR = 1.25
GATE_TEMP = 1.0
Z_LOSS_COEF = 0.01


def setup_inputs(seed: int = 0) -> dict:
    key = jax.random.key(seed)
    k1, k2 = jax.random.split(key)
    hidden_states = jax.random.normal(k1, (4, 4096, D_MODEL), dtype=jnp.float32)
    # nn.Linear(d_model, num_experts, bias=False) weight: [num_experts, d_model], init std=0.01
    gate_weight = jax.random.normal(k2, (NUM_EXPERTS, D_MODEL), dtype=jnp.float32) * 0.01
    return {"hidden_states": hidden_states, "gate_weight": gate_weight}


def reference(hidden_states, gate_weight):
    batch_size, seq_len, d_model = hidden_states.shape
    num_tokens = batch_size * seq_len
    hidden_flat = hidden_states.reshape(-1, d_model)
    gate_logits = hidden_flat @ gate_weight.T
    # eval mode: no jitter
    gate_logits = gate_logits / GATE_TEMP
    gate_probs = jax.nn.softmax(gate_logits, axis=-1)
    top_k_probs, top_k_indices = jax.lax.top_k(gate_probs, NUM_SELECTED)
    top_k_probs = top_k_probs / (jnp.sum(top_k_probs, axis=-1, keepdims=True) + 1e-08)
    capacity = int(CAPACITY_FACTOR * num_tokens / NUM_EXPERTS * NUM_SELECTED)
    # expert_counts[e] = number of tokens that selected expert e in any slot
    expert_hit = jnp.any(top_k_indices[:, :, None] == jnp.arange(NUM_EXPERTS)[None, None, :], axis=1)
    expert_counts = jnp.sum(expert_hit, axis=0).astype(jnp.float32)
    expert_overflow = jnp.sum(jnp.maximum(expert_counts - capacity, 0.0))
    capacity_overflow_pct = expert_overflow / num_tokens * 100.0
    z_loss = jnp.mean(jax.scipy.special.logsumexp(gate_logits, axis=-1)) * Z_LOSS_COEF
    gate_entropy = -jnp.mean(jnp.sum(gate_probs * jnp.log(gate_probs + 1e-10), axis=-1))
    expert_load_normalized = expert_counts / jnp.sum(expert_counts)
    ideal_load = 1.0 / NUM_EXPERTS
    expert_load_variance = jnp.mean((expert_load_normalized - ideal_load) ** 2)
    routing_confidence = jnp.max(top_k_probs, axis=-1)
    expert_indices = top_k_indices.reshape(batch_size, seq_len, NUM_SELECTED)
    expert_weights = top_k_probs.reshape(batch_size, seq_len, NUM_SELECTED)
    return (expert_indices, expert_weights, expert_counts, capacity_overflow_pct,
            z_loss, gate_entropy, expert_load_variance, routing_confidence)

if __name__ == "__main__":
    import jax
    _d = setup_inputs()
    print(jax.jit(kernel)(*tuple(_d.values())))

</pallas_src>

<mosaic_0001>
#map = affine_map<(d0, d1) -> (0, 0)>
#map1 = affine_map<(d0, d1) -> (0, 0, 0)>
module attributes {stable_mosaic.version = 14 : i64} {
  func.func @_route_sc_body(%arg0: i32, %arg1: i32, %arg2: memref<16x16384xf32, #tpu.memory_space<hbm>>, %arg3: memref<2x16384xi32, #tpu.memory_space<hbm>>, %arg4: memref<2x16384xf32, #tpu.memory_space<hbm>>, %arg5: memref<32x16x16xf32, #tpu.memory_space<hbm>>, %arg6: memref<16x512xf32, #tpu.memory_space<vmem>>, %arg7: memref<512xi32, #tpu.memory_space<vmem>>, %arg8: memref<512xi32, #tpu.memory_space<vmem>>, %arg9: memref<512xf32, #tpu.memory_space<vmem>>, %arg10: memref<512xf32, #tpu.memory_space<vmem>>, %arg11: memref<16x16xf32, #tpu.memory_space<vmem>>) attributes {dimension_semantics = [#tpu.dimension_semantics<core_parallel>, #tpu.dimension_semantics<subcore_parallel>], iteration_bounds = array<i64: 2, 16>, scalar_prefetch = 0 : i64, scratch_operands = 6 : i64, tpu.core_type = #tpu.core_type<sc_vector_subcore>, window_params = [{transform_indices = #map}, {transform_indices = #map}, {transform_indices = #map}, {transform_indices = #map1}]} {
    %mul3A = arith.constant 2 : i32
    %mul3A_0 = arith.muli %arg1, %mul3A : i32
    %add3A = arith.addi %mul3A_0, %arg0 : i32
    %mul3A_1 = arith.constant 512 : i32
    %mul3A_2 = arith.muli %add3A, %mul3A_1 : i32
    "tpu.region"() ({
      %run_scoped3A_108 = tpu.sem_alloc : memref<!tpu.dma_semaphore, #tpu.memory_space<semaphore_mem>>
      %dma_start3A = arith.constant 0 : i32
      %dma_start3A_109 = tpu.memref_slice %arg2[%dma_start3A, %mul3A_2] : memref<16x16384xf32, #tpu.memory_space<hbm>> -> memref<16x512xf32, #tpu.memory_space<hbm>>
      %dma_start3A_110 = arith.constant 0 : i32
      %dma_start3A_111 = tpu.memref_slice %arg2[%dma_start3A_110, %mul3A_2] : memref<16x16384xf32, #tpu.memory_space<hbm>> -> memref<16x512xf32, #tpu.memory_space<hbm>>
      tpu.enqueue_dma source(%dma_start3A_111 : memref<16x512xf32, #tpu.memory_space<hbm>>) target(%arg6 : memref<16x512xf32, #tpu.memory_space<vmem>>) target_semaphore(%run_scoped3A_108 : memref<!tpu.dma_semaphore, #tpu.memory_space<semaphore_mem>>)
      %dma_wait3A = arith.constant 0 : i32
      %dma_wait3A_112 = tpu.memref_slice %arg2[%dma_wait3A, %mul3A_2] : memref<16x16384xf32, #tpu.memory_space<hbm>> -> memref<16x512xf32, #tpu.memory_space<hbm>>
      %dma_wait3A_113 = arith.constant 0 : i32
      %dma_wait3A_114 = tpu.memref_slice %arg2[%dma_wait3A_113, %mul3A_2] : memref<16x16384xf32, #tpu.memory_space<hbm>> -> memref<16x512xf32, #tpu.memory_space<hbm>>
      tpu.wait_dma2 semaphore(%run_scoped3A_108 : memref<!tpu.dma_semaphore, #tpu.memory_space<semaphore_mem>>) src(%dma_wait3A_114 : memref<16x512xf32, #tpu.memory_space<hbm>>) dst(%arg6 : memref<16x512xf32, #tpu.memory_space<vmem>>)
      tpu.yield
    }) : () -> ()
    %broadcast_in_dim3A = arith.constant 0.000000e+00 : f32
    %broadcast_in_dim3A_3 = vector.broadcast %broadcast_in_dim3A : f32 to vector<16xf32>
    %swap3A = arith.constant 0 : i32
    %swap3A_4 = arith.index_cast %swap3A : i32 to index
    %swap3A_5 = arith.constant 0 : index
    %swap3A_6 = tpu.vector_load %arg11[%swap3A_4, %swap3A_5] {strides = array<i32>} : memref<16x16xf32, #tpu.memory_space<vmem>>, vector<1x16xf32>,
    %swap3A_7 = vector.shape_cast %swap3A_6 : vector<1x16xf32> to vector<16xf32>
    %swap3A_8 = vector.shape_cast %broadcast_in_dim3A_3 : vector<16xf32> to vector<1x16xf32>
    tpu.vector_store %arg11[%swap3A_4, %swap3A_5], %swap3A_8 {strides = array<i32>} : memref<16x16xf32, #tpu.memory_space<vmem>>, vector<1x16xf32>,
    %swap3A_9 = arith.constant 1 : i32
    %swap3A_10 = arith.index_cast %swap3A_9 : i32 to index
    %swap3A_11 = arith.constant 0 : index
    %swap3A_12 = tpu.vector_load %arg11[%swap3A_10, %swap3A_11] {strides = array<i32>} : memref<16x16xf32, #tpu.memory_space<vmem>>, vector<1x16xf32>,
    %swap3A_13 = vector.shape_cast %swap3A_12 : vector<1x16xf32> to vector<16xf32>
    %swap3A_14 = vector.shape_cast %broadcast_in_dim3A_3 : vector<16xf32> to vector<1x16xf32>
    tpu.vector_store %arg11[%swap3A_10, %swap3A_11], %swap3A_14 {strides = array<i32>} : memref<16x16xf32, #tpu.memory_space<vmem>>, vector<1x16xf32>,
    %swap3A_15 = arith.constant 2 : i32
    %swap3A_16 = arith.index_cast %swap3A_15 : i32 to index
    %swap3A_17 = arith.constant 0 : index
    %swap3A_18 = tpu.vector_load %arg11[%swap3A_16, %swap3A_17] {strides = array<i32>} : memref<16x16xf32, #tpu.memory_space<vmem>>, vector<1x16xf32>,
    %swap3A_19 = vector.shape_cast %swap3A_18 : vector<1x16xf32> to vector<16xf32>
    %swap3A_20 = vector.shape_cast %broadcast_in_dim3A_3 : vector<16xf32> to vector<1x16xf32>
    tpu.vector_store %arg11[%swap3A_16, %swap3A_17], %swap3A_20 {strides = array<i32>} : memref<16x16xf32, #tpu.memory_space<vmem>>, vector<1x16xf32>,
    %swap3A_21 = arith.constant 3 : i32
    %swap3A_22 = arith.index_cast %swap3A_21 : i32 to index
    %swap3A_23 = arith.constant 0 : index
    %swap3A_24 = tpu.vector_load %arg11[%swap3A_22, %swap3A_23] {strides = array<i32>} : memref<16x16xf32, #tpu.memory_space<vmem>>, vector<1x16xf32>,
    %swap3A_25 = vector.shape_cast %swap3A_24 : vector<1x16xf32> to vector<16xf32>
    %swap3A_26 = vector.shape_cast %broadcast_in_dim3A_3 : vector<16xf32> to vector<1x16xf32>
    tpu.vector_store %arg11[%swap3A_22, %swap3A_23], %swap3A_26 {strides = array<i32>} : memref<16x16xf32, #tpu.memory_space<vmem>>, vector<1x16xf32>,
    %swap3A_27 = arith.constant 4 : i32
    %swap3A_28 = arith.index_cast %swap3A_27 : i32 to index
    %swap3A_29 = arith.constant 0 : index
    %swap3A_30 = tpu.vector_load %arg11[%swap3A_28, %swap3A_29] {strides = array<i32>} : memref<16x16xf32, #tpu.memory_space<vmem>>, vector<1x16xf32>,
    %swap3A_31 = vector.shape_cast %swap3A_30 : vector<1x16xf32> to vector<16xf32>
    %swap3A_32 = vector.shape_cast %broadcast_in_dim3A_3 : vector<16xf32> to vector<1x16xf32>
    tpu.vector_store %arg11[%swap3A_28, %swap3A_29], %swap3A_32 {strides = array<i32>} : memref<16x16xf32, #tpu.memory_space<vmem>>, vector<1x16xf32>,
    %swap3A_33 = arith.constant 5 : i32
    %swap3A_34 = arith.index_cast %swap3A_33 : i32 to index
    %swap3A_35 = arith.constant 0 : index
    %swap3A_36 = tpu.vector_load %arg11[%swap3A_34, %swap3A_35] {strides = array<i32>} : memref<16x16xf32, #tpu.memory_space<vmem>>, vector<1x16xf32>,
    %swap3A_37 = vector.shape_cast %swap3A_36 : vector<1x16xf32> to vector<16xf32>
    %swap3A_38 = vector.shape_cast %broadcast_in_dim3A_3 : vector<16xf32> to vector<1x16xf32>
    tpu.vector_store %arg11[%swap3A_34, %swap3A_35], %swap3A_38 {strides = array<i32>} : memref<16x16xf32, #tpu.memory_space<vmem>>, vector<1x16xf32>,
    %swap3A_39 = arith.constant 6 : i32
    %swap3A_40 = arith.index_cast %swap3A_39 : i32 to index
    %swap3A_41 = arith.constant 0 : index
    %swap3A_42 = tpu.vector_load %arg11[%swap3A_40, %swap3A_41] {strides = array<i32>} : memref<16x16xf32, #tpu.memory_space<vmem>>, vector<1x16xf32>,
    %swap3A_43 = vector.shape_cast %swap3A_42 : vector<1x16xf32> to vector<16xf32>
    %swap3A_44 = vector.shape_cast %broadcast_in_dim3A_3 : vector<16xf32> to vector<1x16xf32>
    tpu.vector_store %arg11[%swap3A_40, %swap3A_41], %swap3A_44 {strides = array<i32>} : memref<16x16xf32, #tpu.memory_space<vmem>>, vector<1x16xf32>,
    %swap3A_45 = arith.constant 7 : i32
    %swap3A_46 = arith.index_cast %swap3A_45 : i32 to index
    %swap3A_47 = arith.constant 0 : index
    %swap3A_48 = tpu.vector_load %arg11[%swap3A_46, %swap3A_47] {strides = array<i32>} : memref<16x16xf32, #tpu.memory_space<vmem>>, vector<1x16xf32>,
    %swap3A_49 = vector.shape_cast %swap3A_48 : vector<1x16xf32> to vector<16xf32>
    %swap3A_50 = vector.shape_cast %broadcast_in_dim3A_3 : vector<16xf32> to vector<1x16xf32>
    tpu.vector_store %arg11[%swap3A_46, %swap3A_47], %swap3A_50 {strides = array<i32>} : memref<16x16xf32, #tpu.memory_space<vmem>>, vector<1x16xf32>,
    %swap3A_51 = arith.constant 8 : i32
    %swap3A_52 = arith.index_cast %swap3A_51 : i32 to index
    %swap3A_53 = arith.constant 0 : index
    %swap3A_54 = tpu.vector_load %arg11[%swap3A_52, %swap3A_53] {strides = array<i32>} : memref<16x16xf32, #tpu.memory_space<vmem>>, vector<1x16xf32>,
    %swap3A_55 = vector.shape_cast %swap3A_54 : vector<1x16xf32> to vector<16xf32>
    %swap3A_56 = vector.shape_cast %broadcast_in_dim3A_3 : vector<16xf32> to vector<1x16xf32>
    tpu.vector_store %arg11[%swap3A_52, %swap3A_53], %swap3A_56 {strides = array<i32>} : memref<16x16xf32, #tpu.memory_space<vmem>>, vector<1x16xf32>,
    %swap3A_57 = arith.constant 9 : i32
    %swap3A_58 = arith.index_cast %swap3A_57 : i32 to index
    %swap3A_59 = arith.constant 0 : index
    %swap3A_60 = tpu.vector_load %arg11[%swap3A_58, %swap3A_59] {strides = array<i32>} : memref<16x16xf32, #tpu.memory_space<vmem>>, vector<1x16xf32>,
    %swap3A_61 = vector.shape_cast %swap3A_60 : vector<1x16xf32> to vector<16xf32>
    %swap3A_62 = vector.shape_cast %broadcast_in_dim3A_3 : vector<16xf32> to vector<1x16xf32>
    tpu.vector_store %arg11[%swap3A_58, %swap3A_59], %swap3A_62 {strides = array<i32>} : memref<16x16xf32, #tpu.memory_space<vmem>>, vector<1x16xf32>,
    %swap3A_63 = arith.constant 10 : i32
    %swap3A_64 = arith.index_cast %swap3A_63 : i32 to index
    %swap3A_65 = arith.constant 0 : index
    %swap3A_66 = tpu.vector_load %arg11[%swap3A_64, %swap3A_65] {strides = array<i32>} : memref<16x16xf32, #tpu.memory_space<vmem>>, vector<1x16xf32>,
    %swap3A_67 = vector.shape_cast %swap3A_66 : vector<1x16xf32> to vector<16xf32>
    %swap3A_68 = vector.shape_cast %broadcast_in_dim3A_3 : vector<16xf32> to vector<1x16xf32>
    tpu.vector_store %arg11[%swap3A_64, %swap3A_65], %swap3A_68 {strides = array<i32>} : memref<16x16xf32, #tpu.memory_space<vmem>>, vector<1x16xf32>,
    %swap3A_69 = arith.constant 11 : i32
    %swap3A_70 = arith.index_cast %swap3A_69 : i32 to index
    %swap3A_71 = arith.constant 0 : index
    %swap3A_72 = tpu.vector_load %arg11[%swap3A_70, %swap3A_71] {strides = array<i32>} : memref<16x16xf32, #tpu.memory_space<vmem>>, vector<1x16xf32>,
    %swap3A_73 = vector.shape_cast %swap3A_72 : vector<1x16xf32> to vector<16xf32>
    %swap3A_74 = vector.shape_cast %broadcast_in_dim3A_3 : vector<16xf32> to vector<1x16xf32>
    tpu.vector_store %arg11[%swap3A_70, %swap3A_71], %swap3A_74 {strides = array<i32>} : memref<16x16xf32, #tpu.memory_space<vmem>>, vector<1x16xf32>,
    %swap3A_75 = arith.constant 12 : i32
    %swap3A_76 = arith.index_cast %swap3A_75 : i32 to index
    %swap3A_77 = arith.constant 0 : index
    %swap3A_78 = tpu.vector_load %arg11[%swap3A_76, %swap3A_77] {strides = array<i32>} : memref<16x16xf32, #tpu.memory_space<vmem>>, vector<1x16xf32>,
    %swap3A_79 = vector.shape_cast %swap3A_78 : vector<1x16xf32> to vector<16xf32>
    %swap3A_80 = vector.shape_cast %broadcast_in_dim3A_3 : vector<16xf32> to vector<1x16xf32>
    tpu.vector_store %arg11[%swap3A_76, %swap3A_77], %swap3A_80 {strides = array<i32>} : memref<16x16xf32, #tpu.memory_space<vmem>>, vector<1x16xf32>,
    %swap3A_81 = arith.constant 13 : i32
    %swap3A_82 = arith.index_cast %swap3A_81 : i32 to index
    %swap3A_83 = arith.constant 0 : index
    %swap3A_84 = tpu.vector_load %arg11[%swap3A_82, %swap3A_83] {strides = array<i32>} : memref<16x16xf32, #tpu.memory_space<vmem>>, vector<1x16xf32>,
    %swap3A_85 = vector.shape_cast %swap3A_84 : vector<1x16xf32> to vector<16xf32>
    %swap3A_86 = vector.shape_cast %broadcast_in_dim3A_3 : vector<16xf32> to vector<1x16xf32>
    tpu.vector_store %arg11[%swap3A_82, %swap3A_83], %swap3A_86 {strides = array<i32>} : memref<16x16xf32, #tpu.memory_space<vmem>>, vector<1x16xf32>,
    %swap3A_87 = arith.constant 14 : i32
    %swap3A_88 = arith.index_cast %swap3A_87 : i32 to index
    %swap3A_89 = arith.constant 0 : index
    %swap3A_90 = tpu.vector_load %arg11[%swap3A_88, %swap3A_89] {strides = array<i32>} : memref<16x16xf32, #tpu.memory_space<vmem>>, vector<1x16xf32>,
    %swap3A_91 = vector.shape_cast %swap3A_90 : vector<1x16xf32> to vector<16xf32>
    %swap3A_92 = vector.shape_cast %broadcast_in_dim3A_3 : vector<16xf32> to vector<1x16xf32>
    tpu.vector_store %arg11[%swap3A_88, %swap3A_89], %swap3A_92 {strides = array<i32>} : memref<16x16xf32, #tpu.memory_space<vmem>>, vector<1x16xf32>,
    %swap3A_93 = arith.constant 15 : i32
    %swap3A_94 = arith.index_cast %swap3A_93 : i32 to index
    %swap3A_95 = arith.constant 0 : index
    %swap3A_96 = tpu.vector_load %arg11[%swap3A_94, %swap3A_95] {strides = array<i32>} : memref<16x16xf32, #tpu.memory_space<vmem>>, vector<1x16xf32>,
    %swap3A_97 = vector.shape_cast %swap3A_96 : vector<1x16xf32> to vector<16xf32>
    %swap3A_98 = vector.shape_cast %broadcast_in_dim3A_3 : vector<16xf32> to vector<1x16xf32>
    tpu.vector_store %arg11[%swap3A_94, %swap3A_95], %swap3A_98 {strides = array<i32>} : memref<16x16xf32, #tpu.memory_space<vmem>>, vector<1x16xf32>,
    %scan3A = arith.constant 0 : i32
    %scan3A_99 = arith.constant 0 : i32
    %scan3A_100 = arith.constant 32 : i32
    %scan3A_101 = arith.addi %scan3A_99, %scan3A_100 : i32
    %scan3A_102 = arith.constant 1 : i32
    %scan3A_103 = scf.for %scan3A_108 = %scan3A_99 to %scan3A_101 step %scan3A_102 iter_args(%scan3A_109 = %scan3A) -> (i32)  : i32 {
      %mul3A_110 = arith.constant 16 : i32
      %mul3A_111 = arith.muli %scan3A_108, %mul3A_110 : i32
      %multiple_of3A = tpu.assume_multiple %mul3A_111, 16 : i32
      %get3A = arith.constant 0 : i32
      %get3A_112 = arith.index_cast %get3A : i32 to index
      %get3A_113 = arith.index_cast %multiple_of3A : i32 to index
      %get3A_114 = tpu.vector_load %arg6[%get3A_112, %get3A_113] {strides = array<i32>} : memref<16x512xf32, #tpu.memory_space<vmem>>, vector<1x16xf32>,
      %get3A_115 = vector.shape_cast %get3A_114 : vector<1x16xf32> to vector<16xf32>
      %get3A_116 = arith.constant 1 : i32
      %get3A_117 = arith.index_cast %get3A_116 : i32 to index
      %get3A_118 = arith.index_cast %multiple_of3A : i32 to index
      %get3A_119 = tpu.vector_load %arg6[%get3A_117, %get3A_118] {strides = array<i32>} : memref<16x512xf32, #tpu.memory_space<vmem>>, vector<1x16xf32>,
      %get3A_120 = vector.shape_cast %get3A_119 : vector<1x16xf32> to vector<16xf32>
      %get3A_121 = arith.constant 2 : i32
      %get3A_122 = arith.index_cast %get3A_121 : i32 to index
      %get3A_123 = arith.index_cast %multiple_of3A : i32 to index
      %get3A_124 = tpu.vector_load %arg6[%get3A_122, %get3A_123] {strides = array<i32>} : memref<16x512xf32, #tpu.memory_space<vmem>>, vector<1x16xf32>,
      %get3A_125 = vector.shape_cast %get3A_124 : vector<1x16xf32> to vector<16xf32>
      %get3A_126 = arith.constant 3 : i32
      %get3A_127 = arith.index_cast %get3A_126 : i32 to index
      %get3A_128 = arith.index_cast %multiple_of3A : i32 to index
      %get3A_129 = tpu.vector_load %arg6[%get3A_127, %get3A_128] {strides = array<i32>} : memref<16x512xf32, #tpu.memory_space<vmem>>, vector<1x16xf32>,
      %get3A_130 = vector.shape_cast %get3A_129 : vector<1x16xf32> to vector<16xf32>
      %get3A_131 = arith.constant 4 : i32
      %get3A_132 = arith.index_cast %get3A_131 : i32 to index
      %get3A_133 = arith.index_cast %multiple_of3A : i32 to index
      %get3A_134 = tpu.vector_load %arg6[%get3A_132, %get3A_133] {strides = array<i32>} : memref<16x512xf32, #tpu.memory_space<vmem>>, vector<1x16xf32>,
      %get3A_135 = vector.shape_cast %get3A_134 : vector<1x16xf32> to vector<16xf32>
      %get3A_136 = arith.constant 5 : i32
      %get3A_137 = arith.index_cast %get3A_136 : i32 to index
      %get3A_138 = arith.index_cast %multiple_of3A : i32 to index
      %get3A_139 = tpu.vector_load %arg6[%get3A_137, %get3A_138] {strides = array<i32>} : memref<16x512xf32, #tpu.memory_space<vmem>>, vector<1x16xf32>,
      %get3A_140 = vector.shape_cast %get3A_139 : vector<1x16xf32> to vector<16xf32>
      %get3A_141 = arith.constant 6 : i32
      %get3A_142 = arith.index_cast %get3A_141 : i32 to index
      %get3A_143 = arith.index_cast %multiple_of3A : i32 to index
      %get3A_144 = tpu.vector_load %arg6[%get3A_142, %get3A_143] {strides = array<i32>} : memref<16x512xf32, #tpu.memory_space<vmem>>, vector<1x16xf32>,
      %get3A_145 = vector.shape_cast %get3A_144 : vector<1x16xf32> to vector<16xf32>
      %get3A_146 = arith.constant 7 : i32
      %get3A_147 = arith.index_cast %get3A_146 : i32 to index
      %get3A_148 = arith.index_cast %multiple_of3A : i32 to index
      %get3A_149 = tpu.vector_load %arg6[%get3A_147, %get3A_148] {strides = array<i32>} : memref<16x512xf32, #tpu.memory_space<vmem>>, vector<1x16xf32>,
      %get3A_150 = vector.shape_cast %get3A_149 : vector<1x16xf32> to vector<16xf32>
      %get3A_151 = arith.constant 8 : i32
      %get3A_152 = arith.index_cast %get3A_151 : i32 to index
      %get3A_153 = arith.index_cast %multiple_of3A : i32 to index
      %get3A_154 = tpu.vector_load %arg6[%get3A_152, %get3A_153] {strides = array<i32>} : memref<16x512xf32, #tpu.memory_space<vmem>>, vector<1x16xf32>,
      %get3A_155 = vector.shape_cast %get3A_154 : vector<1x16xf32> to vector<16xf32>
      %get3A_156 = arith.constant 9 : i32
      %get3A_157 = arith.index_cast %get3A_156 : i32 to index
      %get3A_158 = arith.index_cast %multiple_of3A : i32 to index
      %get3A_159 = tpu.vector_load %arg6[%get3A_157, %get3A_158] {strides = array<i32>} : memref<16x512xf32, #tpu.memory_space<vmem>>, vector<1x16xf32>,
      %get3A_160 = vector.shape_cast %get3A_159 : vector<1x16xf32> to vector<16xf32>
      %get3A_161 = arith.constant 10 : i32
      %get3A_162 = arith.index_cast %get3A_161 : i32 to index
      %get3A_163 = arith.index_cast %multiple_of3A : i32 to index
      %get3A_164 = tpu.vector_load %arg6[%get3A_162, %get3A_163] {strides = array<i32>} : memref<16x512xf32, #tpu.memory_space<vmem>>, vector<1x16xf32>,
      %get3A_165 = vector.shape_cast %get3A_164 : vector<1x16xf32> to vector<16xf32>
      %get3A_166 = arith.constant 11 : i32
      %get3A_167 = arith.index_cast %get3A_166 : i32 to index
      %get3A_168 = arith.index_cast %multiple_of3A : i32 to index
      %get3A_169 = tpu.vector_load %arg6[%get3A_167, %get3A_168] {strides = array<i32>} : memref<16x512xf32, #tpu.memory_space<vmem>>, vector<1x16xf32>,
      %get3A_170 = vector.shape_cast %get3A_169 : vector<1x16xf32> to vector<16xf32>
      %get3A_171 = arith.constant 12 : i32
      %get3A_172 = arith.index_cast %get3A_171 : i32 to index
      %get3A_173 = arith.index_cast %multiple_of3A : i32 to index
      %get3A_174 = tpu.vector_load %arg6[%get3A_172, %get3A_173] {strides = array<i32>} : memref<16x512xf32, #tpu.memory_space<vmem>>, vector<1x16xf32>,
      %get3A_175 = vector.shape_cast %get3A_174 : vector<1x16xf32> to vector<16xf32>
      %get3A_176 = arith.constant 13 : i32
      %get3A_177 = arith.index_cast %get3A_176 : i32 to index
      %get3A_178 = arith.index_cast %multiple_of3A : i32 to index
      %get3A_179 = tpu.vector_load %arg6[%get3A_177, %get3A_178] {strides = array<i32>} : memref<16x512xf32, #tpu.memory_space<vmem>>, vector<1x16xf32>,
      %get3A_180 = vector.shape_cast %get3A_179 : vector<1x16xf32> to vector<16xf32>
      %get3A_181 = arith.constant 14 : i32
      %get3A_182 = arith.index_cast %get3A_181 : i32 to index
      %get3A_183 = arith.index_cast %multiple_of3A : i32 to index
      %get3A_184 = tpu.vector_load %arg6[%get3A_182, %get3A_183] {strides = array<i32>} : memref<16x512xf32, #tpu.memory_space<vmem>>, vector<1x16xf32>,
      %get3A_185 = vector.shape_cast %get3A_184 : vector<1x16xf32> to vector<16xf32>
      %get3A_186 = arith.constant 15 : i32
      %get3A_187 = arith.index_cast %get3A_186 : i32 to index
      %get3A_188 = arith.index_cast %multiple_of3A : i32 to index
      %get3A_189 = tpu.vector_load %arg6[%get3A_187, %get3A_188] {strides = array<i32>} : memref<16x512xf32, #tpu.memory_space<vmem>>, vector<1x16xf32>,
      %get3A_190 = vector.shape_cast %get3A_189 : vector<1x16xf32> to vector<16xf32>
      %max3A = arith.maximumf %get3A_115, %get3A_120 : vector<16xf32>
      %max3A_191 = arith.maximumf %max3A, %get3A_125 : vector<16xf32>
      %max3A_192 = arith.maximumf %max3A_191, %get3A_130 : vector<16xf32>
      %max3A_193 = arith.maximumf %max3A_192, %get3A_135 : vector<16xf32>
      %max3A_194 = arith.maximumf %max3A_193, %get3A_140 : vector<16xf32>
      %max3A_195 = arith.maximumf %max3A_194, %get3A_145 : vector<16xf32>
      %max3A_196 = arith.maximumf %max3A_195, %get3A_150 : vector<16xf32>
      %max3A_197 = arith.maximumf %max3A_196, %get3A_155 : vector<16xf32>
      %max3A_198 = arith.maximumf %max3A_197, %get3A_160 : vector<16xf32>
      %max3A_199 = arith.maximumf %max3A_198, %get3A_165 : vector<16xf32>
      %max3A_200 = arith.maximumf %max3A_199, %get3A_170 : vector<16xf32>
      %max3A_201 = arith.maximumf %max3A_200, %get3A_175 : vector<16xf32>
      %max3A_202 = arith.maximumf %max3A_201, %get3A_180 : vector<16xf32>
      %max3A_203 = arith.maximumf %max3A_202, %get3A_185 : vector<16xf32>
      %max3A_204 = arith.maximumf %max3A_203, %get3A_190 : vector<16xf32>
      %broadcast_in_dim3A_205 = arith.constant 16 : i32
      %broadcast_in_dim3A_206 = vector.broadcast %broadcast_in_dim3A_205 : i32 to vector<16xi32>
      %eq3A = arith.cmpf oeq, %get3A_190, %max3A_204 : vector<16xf32>
      %broadcast_in_dim3A_207 = arith.constant 15 : i32
      %broadcast_in_dim3A_208 = vector.broadcast %broadcast_in_dim3A_207 : i32 to vector<16xi32>
      %select_n3A = arith.select %eq3A, %broadcast_in_dim3A_208, %broadcast_in_dim3A_206 : vector<16xi1>, vector<16xi32>
      %eq3A_209 = arith.cmpf oeq, %get3A_185, %max3A_204 : vector<16xf32>
      %broadcast_in_dim3A_210 = arith.constant 14 : i32
      %broadcast_in_dim3A_211 = vector.broadcast %broadcast_in_dim3A_210 : i32 to vector<16xi32>
      %select_n3A_212 = arith.select %eq3A_209, %broadcast_in_dim3A_211, %select_n3A : vector<16xi1>, vector<16xi32>
      %eq3A_213 = arith.cmpf oeq, %get3A_180, %max3A_204 : vector<16xf32>
      %broadcast_in_dim3A_214 = arith.constant 13 : i32
      %broadcast_in_dim3A_215 = vector.broadcast %broadcast_in_dim3A_214 : i32 to vector<16xi32>
      %select_n3A_216 = arith.select %eq3A_213, %broadcast_in_dim3A_215, %select_n3A_212 : vector<16xi1>, vector<16xi32>
      %eq3A_217 = arith.cmpf oeq, %get3A_175, %max3A_204 : vector<16xf32>
      %broadcast_in_dim3A_218 = arith.constant 12 : i32
      %broadcast_in_dim3A_219 = vector.broadcast %broadcast_in_dim3A_218 : i32 to vector<16xi32>
      %select_n3A_220 = arith.select %eq3A_217, %broadcast_in_dim3A_219, %select_n3A_216 : vector<16xi1>, vector<16xi32>
      %eq3A_221 = arith.cmpf oeq, %get3A_170, %max3A_204 : vector<16xf32>
      %broadcast_in_dim3A_222 = arith.constant 11 : i32
      %broadcast_in_dim3A_223 = vector.broadcast %broadcast_in_dim3A_222 : i32 to vector<16xi32>
      %select_n3A_224 = arith.select %eq3A_221, %broadcast_in_dim3A_223, %select_n3A_220 : vector<16xi1>, vector<16xi32>
      %eq3A_225 = arith.cmpf oeq, %get3A_165, %max3A_204 : vector<16xf32>
      %broadcast_in_dim3A_226 = arith.constant 10 : i32
      %broadcast_in_dim3A_227 = vector.broadcast %broadcast_in_dim3A_226 : i32 to vector<16xi32>
      %select_n3A_228 = arith.select %eq3A_225, %broadcast_in_dim3A_227, %select_n3A_224 : vector<16xi1>, vector<16xi32>
      %eq3A_229 = arith.cmpf oeq, %get3A_160, %max3A_204 : vector<16xf32>
      %broadcast_in_dim3A_230 = arith.constant 9 : i32
      %broadcast_in_dim3A_231 = vector.broadcast %broadcast_in_dim3A_230 : i32 to vector<16xi32>
      %select_n3A_232 = arith.select %eq3A_229, %broadcast_in_dim3A_231, %select_n3A_228 : vector<16xi1>, vector<16xi32>
      %eq3A_233 = arith.cmpf oeq, %get3A_155, %max3A_204 : vector<16xf32>
      %broadcast_in_dim3A_234 = arith.constant 8 : i32
      %broadcast_in_dim3A_235 = vector.broadcast %broadcast_in_dim3A_234 : i32 to vector<16xi32>
      %select_n3A_236 = arith.select %eq3A_233, %broadcast_in_dim3A_235, %select_n3A_232 : vector<16xi1>, vector<16xi32>
      %eq3A_237 = arith.cmpf oeq, %get3A_150, %max3A_204 : vector<16xf32>
      %broadcast_in_dim3A_238 = arith.constant 7 : i32
      %broadcast_in_dim3A_239 = vector.broadcast %broadcast_in_dim3A_238 : i32 to vector<16xi32>
      %select_n3A_240 = arith.select %eq3A_237, %broadcast_in_dim3A_239, %select_n3A_236 : vector<16xi1>, vector<16xi32>
      %eq3A_241 = arith.cmpf oeq, %get3A_145, %max3A_204 : vector<16xf32>
      %broadcast_in_dim3A_242 = arith.constant 6 : i32
      %broadcast_in_dim3A_243 = vector.broadcast %broadcast_in_dim3A_242 : i32 to vector<16xi32>
      %select_n3A_244 = arith.select %eq3A_241, %broadcast_in_dim3A_243, %select_n3A_240 : vector<16xi1>, vector<16xi32>
      %eq3A_245 = arith.cmpf oeq, %get3A_140, %max3A_204 : vector<16xf32>
      %broadcast_in_dim3A_246 = arith.constant 5 : i32
      %broadcast_in_dim3A_247 = vector.broadcast %broadcast_in_dim3A_246 : i32 to vector<16xi32>
      %select_n3A_248 = arith.select %eq3A_245, %broadcast_in_dim3A_247, %select_n3A_244 : vector<16xi1>, vector<16xi32>
      %eq3A_249 = arith.cmpf oeq, %get3A_135, %max3A_204 : vector<16xf32>
      %broadcast_in_dim3A_250 = arith.constant 4 : i32
      %broadcast_in_dim3A_251 = vector.broadcast %broadcast_in_dim3A_250 : i32 to vector<16xi32>
      %select_n3A_252 = arith.select %eq3A_249, %broadcast_in_dim3A_251, %select_n3A_248 : vector<16xi1>, vector<16xi32>
      %eq3A_253 = arith.cmpf oeq, %get3A_130, %max3A_204 : vector<16xf32>
      %broadcast_in_dim3A_254 = arith.constant 3 : i32
      %broadcast_in_dim3A_255 = vector.broadcast %broadcast_in_dim3A_254 : i32 to vector<16xi32>
      %select_n3A_256 = arith.select %eq3A_253, %broadcast_in_dim3A_255, %select_n3A_252 : vector<16xi1>, vector<16xi32>
      %eq3A_257 = arith.cmpf oeq, %get3A_125, %max3A_204 : vector<16xf32>
      %broadcast_in_dim3A_258 = arith.constant 2 : i32
      %broadcast_in_dim3A_259 = vector.broadcast %broadcast_in_dim3A_258 : i32 to vector<16xi32>
      %select_n3A_260 = arith.select %eq3A_257, %broadcast_in_dim3A_259, %select_n3A_256 : vector<16xi1>, vector<16xi32>
      %eq3A_261 = arith.cmpf oeq, %get3A_120, %max3A_204 : vector<16xf32>
      %broadcast_in_dim3A_262 = arith.constant 1 : i32
      %broadcast_in_dim3A_263 = vector.broadcast %broadcast_in_dim3A_262 : i32 to vector<16xi32>
      %select_n3A_264 = arith.select %eq3A_261, %broadcast_in_dim3A_263, %select_n3A_260 : vector<16xi1>, vector<16xi32>
      %eq3A_265 = arith.cmpf oeq, %get3A_115, %max3A_204 : vector<16xf32>
      %broadcast_in_dim3A_266 = arith.constant 0 : i32
      %broadcast_in_dim3A_267 = vector.broadcast %broadcast_in_dim3A_266 : i32 to vector<16xi32>
      %select_n3A_268 = arith.select %eq3A_265, %broadcast_in_dim3A_267, %select_n3A_264 : vector<16xi1>, vector<16xi32>
      %broadcast_in_dim3A_269 = arith.constant -3.000000e+38 : f32
      %broadcast_in_dim3A_270 = vector.broadcast %broadcast_in_dim3A_269 : f32 to vector<16xf32>
      %broadcast_in_dim3A_271 = arith.constant 0 : i32
      %broadcast_in_dim3A_272 = vector.broadcast %broadcast_in_dim3A_271 : i32 to vector<16xi32>
      %eq3A_273 = arith.cmpi eq, %select_n3A_268, %broadcast_in_dim3A_272 : vector<16xi32>
      %select_n3A_274 = arith.select %eq3A_273, %broadcast_in_dim3A_270, %get3A_115 : vector<16xi1>, vector<16xf32>
      %broadcast_in_dim3A_275 = arith.constant 1 : i32
      %broadcast_in_dim3A_276 = vector.broadcast %broadcast_in_dim3A_275 : i32 to vector<16xi32>
      %eq3A_277 = arith.cmpi eq, %select_n3A_268, %broadcast_in_dim3A_276 : vector<16xi32>
      %select_n3A_278 = arith.select %eq3A_277, %broadcast_in_dim3A_270, %get3A_120 : vector<16xi1>, vector<16xf32>
      %broadcast_in_dim3A_279 = arith.constant 2 : i32
      %broadcast_in_dim3A_280 = vector.broadcast %broadcast_in_dim3A_279 : i32 to vector<16xi32>
      %eq3A_281 = arith.cmpi eq, %select_n3A_268, %broadcast_in_dim3A_280 : vector<16xi32>
      %select_n3A_282 = arith.select %eq3A_281, %broadcast_in_dim3A_270, %get3A_125 : vector<16xi1>, vector<16xf32>
      %broadcast_in_dim3A_283 = arith.constant 3 : i32
      %broadcast_in_dim3A_284 = vector.broadcast %broadcast_in_dim3A_283 : i32 to vector<16xi32>
      %eq3A_285 = arith.cmpi eq, %select_n3A_268, %broadcast_in_dim3A_284 : vector<16xi32>
      %select_n3A_286 = arith.select %eq3A_285, %broadcast_in_dim3A_270, %get3A_130 : vector<16xi1>, vector<16xf32>
      %broadcast_in_dim3A_287 = arith.constant 4 : i32
      %broadcast_in_dim3A_288 = vector.broadcast %broadcast_in_dim3A_287 : i32 to vector<16xi32>
      %eq3A_289 = arith.cmpi eq, %select_n3A_268, %broadcast_in_dim3A_288 : vector<16xi32>
      %select_n3A_290 = arith.select %eq3A_289, %broadcast_in_dim3A_270, %get3A_135 : vector<16xi1>, vector<16xf32>
      %broadcast_in_dim3A_291 = arith.constant 5 : i32
      %broadcast_in_dim3A_292 = vector.broadcast %broadcast_in_dim3A_291 : i32 to vector<16xi32>
      %eq3A_293 = arith.cmpi eq, %select_n3A_268, %broadcast_in_dim3A_292 : vector<16xi32>
      %select_n3A_294 = arith.select %eq3A_293, %broadcast_in_dim3A_270, %get3A_140 : vector<16xi1>, vector<16xf32>
      %broadcast_in_dim3A_295 = arith.constant 6 : i32
      %broadcast_in_dim3A_296 = vector.broadcast %broadcast_in_dim3A_295 : i32 to vector<16xi32>
      %eq3A_297 = arith.cmpi eq, %select_n3A_268, %broadcast_in_dim3A_296 : vector<16xi32>
      %select_n3A_298 = arith.select %eq3A_297, %broadcast_in_dim3A_270, %get3A_145 : vector<16xi1>, vector<16xf32>
      %broadcast_in_dim3A_299 = arith.constant 7 : i32
      %broadcast_in_dim3A_300 = vector.broadcast %broadcast_in_dim3A_299 : i32 to vector<16xi32>
      %eq3A_301 = arith.cmpi eq, %select_n3A_268, %broadcast_in_dim3A_300 : vector<16xi32>
      %select_n3A_302 = arith.select %eq3A_301, %broadcast_in_dim3A_270, %get3A_150 : vector<16xi1>, vector<16xf32>
      %broadcast_in_dim3A_303 = arith.constant 8 : i32
      %broadcast_in_dim3A_304 = vector.broadcast %broadcast_in_dim3A_303 : i32 to vector<16xi32>
      %eq3A_305 = arith.cmpi eq, %select_n3A_268, %broadcast_in_dim3A_304 : vector<16xi32>
      %select_n3A_306 = arith.select %eq3A_305, %broadcast_in_dim3A_270, %get3A_155 : vector<16xi1>, vector<16xf32>
      %broadcast_in_dim3A_307 = arith.constant 9 : i32
      %broadcast_in_dim3A_308 = vector.broadcast %broadcast_in_dim3A_307 : i32 to vector<16xi32>
      %eq3A_309 = arith.cmpi eq, %select_n3A_268, %broadcast_in_dim3A_308 : vector<16xi32>
      %select_n3A_310 = arith.select %eq3A_309, %broadcast_in_dim3A_270, %get3A_160 : vector<16xi1>, vector<16xf32>
      %broadcast_in_dim3A_311 = arith.constant 10 : i32
      %broadcast_in_dim3A_312 = vector.broadcast %broadcast_in_dim3A_311 : i32 to vector<16xi32>
      %eq3A_313 = arith.cmpi eq, %select_n3A_268, %broadcast_in_dim3A_312 : vector<16xi32>
      %select_n3A_314 = arith.select %eq3A_313, %broadcast_in_dim3A_270, %get3A_165 : vector<16xi1>, vector<16xf32>
      %broadcast_in_dim3A_315 = arith.constant 11 : i32
      %broadcast_in_dim3A_316 = vector.broadcast %broadcast_in_dim3A_315 : i32 to vector<16xi32>
      %eq3A_317 = arith.cmpi eq, %select_n3A_268, %broadcast_in_dim3A_316 : vector<16xi32>
      %select_n3A_318 = arith.select %eq3A_317, %broadcast_in_dim3A_270, %get3A_170 : vector<16xi1>, vector<16xf32>
      %broadcast_in_dim3A_319 = arith.constant 12 : i32
      %broadcast_in_dim3A_320 = vector.broadcast %broadcast_in_dim3A_319 : i32 to vector<16xi32>
      %eq3A_321 = arith.cmpi eq, %select_n3A_268, %broadcast_in_dim3A_320 : vector<16xi32>
      %select_n3A_322 = arith.select %eq3A_321, %broadcast_in_dim3A_270, %get3A_175 : vector<16xi1>, vector<16xf32>
      %broadcast_in_dim3A_323 = arith.constant 13 : i32
      %broadcast_in_dim3A_324 = vector.broadcast %broadcast_in_dim3A_323 : i32 to vector<16xi32>
      %eq3A_325 = arith.cmpi eq, %select_n3A_268, %broadcast_in_dim3A_324 : vector<16xi32>
      %select_n3A_326 = arith.select %eq3A_325, %broadcast_in_dim3A_270, %get3A_180 : vector<16xi1>, vector<16xf32>
      %broadcast_in_dim3A_327 = arith.constant 14 : i32
      %broadcast_in_dim3A_328 = vector.broadcast %broadcast_in_dim3A_327 : i32 to vector<16xi32>
      %eq3A_329 = arith.cmpi eq, %select_n3A_268, %broadcast_in_dim3A_328 : vector<16xi32>
      %select_n3A_330 = arith.select %eq3A_329, %broadcast_in_dim3A_270, %get3A_185 : vector<16xi1>, vector<16xf32>
      %broadcast_in_dim3A_331 = arith.constant 15 : i32
      %broadcast_in_dim3A_332 = vector.broadcast %broadcast_in_dim3A_331 : i32 to vector<16xi32>
      %eq3A_333 = arith.cmpi eq, %select_n3A_268, %broadcast_in_dim3A_332 : vector<16xi32>
      %select_n3A_334 = arith.select %eq3A_333, %broadcast_in_dim3A_270, %get3A_190 : vector<16xi1>, vector<16xf32>
      %max3A_335 = arith.maximumf %select_n3A_274, %select_n3A_278 : vector<16xf32>
      %max3A_336 = arith.maximumf %max3A_335, %select_n3A_282 : vector<16xf32>
      %max3A_337 = arith.maximumf %max3A_336, %select_n3A_286 : vector<16xf32>
      %max3A_338 = arith.maximumf %max3A_337, %select_n3A_290 : vector<16xf32>
      %max3A_339 = arith.maximumf %max3A_338, %select_n3A_294 : vector<16xf32>
      %max3A_340 = arith.maximumf %max3A_339, %select_n3A_298 : vector<16xf32>
      %max3A_341 = arith.maximumf %max3A_340, %select_n3A_302 : vector<16xf32>
      %max3A_342 = arith.maximumf %max3A_341, %select_n3A_306 : vector<16xf32>
      %max3A_343 = arith.maximumf %max3A_342, %select_n3A_310 : vector<16xf32>
      %max3A_344 = arith.maximumf %max3A_343, %select_n3A_314 : vector<16xf32>
      %max3A_345 = arith.maximumf %max3A_344, %select_n3A_318 : vector<16xf32>
      %max3A_346 = arith.maximumf %max3A_345, %select_n3A_322 : vector<16xf32>
      %max3A_347 = arith.maximumf %max3A_346, %select_n3A_326 : vector<16xf32>
      %max3A_348 = arith.maximumf %max3A_347, %select_n3A_330 : vector<16xf32>
      %max3A_349 = arith.maximumf %max3A_348, %select_n3A_334 : vector<16xf32>
      %broadcast_in_dim3A_350 = arith.constant 16 : i32
      %broadcast_in_dim3A_351 = vector.broadcast %broadcast_in_dim3A_350 : i32 to vector<16xi32>
      %eq3A_352 = arith.cmpf oeq, %select_n3A_334, %max3A_349 : vector<16xf32>
      %broadcast_in_dim3A_353 = arith.constant 15 : i32
      %broadcast_in_dim3A_354 = vector.broadcast %broadcast_in_dim3A_353 : i32 to vector<16xi32>
      %select_n3A_355 = arith.select %eq3A_352, %broadcast_in_dim3A_354, %broadcast_in_dim3A_351 : vector<16xi1>, vector<16xi32>
      %eq3A_356 = arith.cmpf oeq, %select_n3A_330, %max3A_349 : vector<16xf32>
      %broadcast_in_dim3A_357 = arith.constant 14 : i32
      %broadcast_in_dim3A_358 = vector.broadcast %broadcast_in_dim3A_357 : i32 to vector<16xi32>
      %select_n3A_359 = arith.select %eq3A_356, %broadcast_in_dim3A_358, %select_n3A_355 : vector<16xi1>, vector<16xi32>
      %eq3A_360 = arith.cmpf oeq, %select_n3A_326, %max3A_349 : vector<16xf32>
      %broadcast_in_dim3A_361 = arith.constant 13 : i32
      %broadcast_in_dim3A_362 = vector.broadcast %broadcast_in_dim3A_361 : i32 to vector<16xi32>
      %select_n3A_363 = arith.select %eq3A_360, %broadcast_in_dim3A_362, %select_n3A_359 : vector<16xi1>, vector<16xi32>
      %eq3A_364 = arith.cmpf oeq, %select_n3A_322, %max3A_349 : vector<16xf32>
      %broadcast_in_dim3A_365 = arith.constant 12 : i32
      %broadcast_in_dim3A_366 = vector.broadcast %broadcast_in_dim3A_365 : i32 to vector<16xi32>
      %select_n3A_367 = arith.select %eq3A_364, %broadcast_in_dim3A_366, %select_n3A_363 : vector<16xi1>, vector<16xi32>
      %eq3A_368 = arith.cmpf oeq, %select_n3A_318, %max3A_349 : vector<16xf32>
      %broadcast_in_dim3A_369 = arith.constant 11 : i32
      %broadcast_in_dim3A_370 = vector.broadcast %broadcast_in_dim3A_369 : i32 to vector<16xi32>
      %select_n3A_371 = arith.select %eq3A_368, %broadcast_in_dim3A_370, %select_n3A_367 : vector<16xi1>, vector<16xi32>
      %eq3A_372 = arith.cmpf oeq, %select_n3A_314, %max3A_349 : vector<16xf32>
      %broadcast_in_dim3A_373 = arith.constant 10 : i32
      %broadcast_in_dim3A_374 = vector.broadcast %broadcast_in_dim3A_373 : i32 to vector<16xi32>
      %select_n3A_375 = arith.select %eq3A_372, %broadcast_in_dim3A_374, %select_n3A_371 : vector<16xi1>, vector<16xi32>
      %eq3A_376 = arith.cmpf oeq, %select_n3A_310, %max3A_349 : vector<16xf32>
      %broadcast_in_dim3A_377 = arith.constant 9 : i32
      %broadcast_in_dim3A_378 = vector.broadcast %broadcast_in_dim3A_377 : i32 to vector<16xi32>
      %select_n3A_379 = arith.select %eq3A_376, %broadcast_in_dim3A_378, %select_n3A_375 : vector<16xi1>, vector<16xi32>
      %eq3A_380 = arith.cmpf oeq, %select_n3A_306, %max3A_349 : vector<16xf32>
      %broadcast_in_dim3A_381 = arith.constant 8 : i32
      %broadcast_in_dim3A_382 = vector.broadcast %broadcast_in_dim3A_381 : i32 to vector<16xi32>
      %select_n3A_383 = arith.select %eq3A_380, %broadcast_in_dim3A_382, %select_n3A_379 : vector<16xi1>, vector<16xi32>
      %eq3A_384 = arith.cmpf oeq, %select_n3A_302, %max3A_349 : vector<16xf32>
      %broadcast_in_dim3A_385 = arith.constant 7 : i32
      %broadcast_in_dim3A_386 = vector.broadcast %broadcast_in_dim3A_385 : i32 to vector<16xi32>
      %select_n3A_387 = arith.select %eq3A_384, %broadcast_in_dim3A_386, %select_n3A_383 : vector<16xi1>, vector<16xi32>
      %eq3A_388 = arith.cmpf oeq, %select_n3A_298, %max3A_349 : vector<16xf32>
      %broadcast_in_dim3A_389 = arith.constant 6 : i32
      %broadcast_in_dim3A_390 = vector.broadcast %broadcast_in_dim3A_389 : i32 to vector<16xi32>
      %select_n3A_391 = arith.select %eq3A_388, %broadcast_in_dim3A_390, %select_n3A_387 : vector<16xi1>, vector<16xi32>
      %eq3A_392 = arith.cmpf oeq, %select_n3A_294, %max3A_349 : vector<16xf32>
      %broadcast_in_dim3A_393 = arith.constant 5 : i32
      %broadcast_in_dim3A_394 = vector.broadcast %broadcast_in_dim3A_393 : i32 to vector<16xi32>
      %select_n3A_395 = arith.select %eq3A_392, %broadcast_in_dim3A_394, %select_n3A_391 : vector<16xi1>, vector<16xi32>
      %eq3A_396 = arith.cmpf oeq, %select_n3A_290, %max3A_349 : vector<16xf32>
      %broadcast_in_dim3A_397 = arith.constant 4 : i32
      %broadcast_in_dim3A_398 = vector.broadcast %broadcast_in_dim3A_397 : i32 to vector<16xi32>
      %select_n3A_399 = arith.select %eq3A_396, %broadcast_in_dim3A_398, %select_n3A_395 : vector<16xi1>, vector<16xi32>
      %eq3A_400 = arith.cmpf oeq, %select_n3A_286, %max3A_349 : vector<16xf32>
      %broadcast_in_dim3A_401 = arith.constant 3 : i32
      %broadcast_in_dim3A_402 = vector.broadcast %broadcast_in_dim3A_401 : i32 to vector<16xi32>
      %select_n3A_403 = arith.select %eq3A_400, %broadcast_in_dim3A_402, %select_n3A_399 : vector<16xi1>, vector<16xi32>
      %eq3A_404 = arith.cmpf oeq, %select_n3A_282, %max3A_349 : vector<16xf32>
      %broadcast_in_dim3A_405 = arith.constant 2 : i32
      %broadcast_in_dim3A_406 = vector.broadcast %broadcast_in_dim3A_405 : i32 to vector<16xi32>
      %select_n3A_407 = arith.select %eq3A_404, %broadcast_in_dim3A_406, %select_n3A_403 : vector<16xi1>, vector<16xi32>
      %eq3A_408 = arith.cmpf oeq, %select_n3A_278, %max3A_349 : vector<16xf32>
      %broadcast_in_dim3A_409 = arith.constant 1 : i32
      %broadcast_in_dim3A_410 = vector.broadcast %broadcast_in_dim3A_409 : i32 to vector<16xi32>
      %select_n3A_411 = arith.select %eq3A_408, %broadcast_in_dim3A_410, %select_n3A_407 : vector<16xi1>, vector<16xi32>
      %eq3A_412 = arith.cmpf oeq, %select_n3A_274, %max3A_349 : vector<16xf32>
      %broadcast_in_dim3A_413 = arith.constant 0 : i32
      %broadcast_in_dim3A_414 = vector.broadcast %broadcast_in_dim3A_413 : i32 to vector<16xi32>
      %select_n3A_415 = arith.select %eq3A_412, %broadcast_in_dim3A_414, %select_n3A_411 : vector<16xi1>, vector<16xi32>
      %sub3A = arith.subf %get3A_115, %max3A_204 : vector<16xf32>
      %exp3A = math.exp %sub3A : vector<16xf32>
      %sub3A_416 = arith.subf %get3A_120, %max3A_204 : vector<16xf32>
      %exp3A_417 = math.exp %sub3A_416 : vector<16xf32>
      %add3A_418 = arith.addf %exp3A, %exp3A_417 : vector<16xf32>
      %sub3A_419 = arith.subf %get3A_125, %max3A_204 : vector<16xf32>
      %exp3A_420 = math.exp %sub3A_419 : vector<16xf32>
      %add3A_421 = arith.addf %add3A_418, %exp3A_420 : vector<16xf32>
      %sub3A_422 = arith.subf %get3A_130, %max3A_204 : vector<16xf32>
      %exp3A_423 = math.exp %sub3A_422 : vector<16xf32>
      %add3A_424 = arith.addf %add3A_421, %exp3A_423 : vector<16xf32>
      %sub3A_425 = arith.subf %get3A_135, %max3A_204 : vector<16xf32>
      %exp3A_426 = math.exp %sub3A_425 : vector<16xf32>
      %add3A_427 = arith.addf %add3A_424, %exp3A_426 : vector<16xf32>
      %sub3A_428 = arith.subf %get3A_140, %max3A_204 : vector<16xf32>
      %exp3A_429 = math.exp %sub3A_428 : vector<16xf32>
      %add3A_430 = arith.addf %add3A_427, %exp3A_429 : vector<16xf32>
      %sub3A_431 = arith.subf %get3A_145, %max3A_204 : vector<16xf32>
      %exp3A_432 = math.exp %sub3A_431 : vector<16xf32>
      %add3A_433 = arith.addf %add3A_430, %exp3A_432 : vector<16xf32>
      %sub3A_434 = arith.subf %get3A_150, %max3A_204 : vector<16xf32>
      %exp3A_435 = math.exp %sub3A_434 : vector<16xf32>
      %add3A_436 = arith.addf %add3A_433, %exp3A_435 : vector<16xf32>
      %sub3A_437 = arith.subf %get3A_155, %max3A_204 : vector<16xf32>
      %exp3A_438 = math.exp %sub3A_437 : vector<16xf32>
      %add3A_439 = arith.addf %add3A_436, %exp3A_438 : vector<16xf32>
      %sub3A_440 = arith.subf %get3A_160, %max3A_204 : vector<16xf32>
      %exp3A_441 = math.exp %sub3A_440 : vector<16xf32>
      %add3A_442 = arith.addf %add3A_439, %exp3A_441 : vector<16xf32>
      %sub3A_443 = arith.subf %get3A_165, %max3A_204 : vector<16xf32>
      %exp3A_444 = math.exp %sub3A_443 : vector<16xf32>
      %add3A_445 = arith.addf %add3A_442, %exp3A_444 : vector<16xf32>
      %sub3A_446 = arith.subf %get3A_170, %max3A_204 : vector<16xf32>
      %exp3A_447 = math.exp %sub3A_446 : vector<16xf32>
      %add3A_448 = arith.addf %add3A_445, %exp3A_447 : vector<16xf32>
      %sub3A_449 = arith.subf %get3A_175, %max3A_204 : vector<16xf32>
      %exp3A_450 = math.exp %sub3A_449 : vector<16xf32>
      %add3A_451 = arith.addf %add3A_448, %exp3A_450 : vector<16xf32>
      %sub3A_452 = arith.subf %get3A_180, %max3A_204 : vector<16xf32>
      %exp3A_453 = math.exp %sub3A_452 : vector<16xf32>
      %add3A_454 = arith.addf %add3A_451, %exp3A_453 : vector<16xf32>
      %sub3A_455 = arith.subf %get3A_185, %max3A_204 : vector<16xf32>
      %exp3A_456 = math.exp %sub3A_455 : vector<16xf32>
      %add3A_457 = arith.addf %add3A_454, %exp3A_456 : vector<16xf32>
      %sub3A_458 = arith.subf %get3A_190, %max3A_204 : vector<16xf32>
      %exp3A_459 = math.exp %sub3A_458 : vector<16xf32>
      %add3A_460 = arith.addf %add3A_457, %exp3A_459 : vector<16xf32>
      %div3A = arith.constant 1.000000e+00 : f32
      %div3A_461 = vector.broadcast %div3A : f32 to vector<16xf32>
      %div3A_462 = arith.divf %div3A_461, %add3A_460 : vector<16xf32>
      %sub3A_463 = arith.subf %max3A_349, %max3A_204 : vector<16xf32>
      %exp3A_464 = math.exp %sub3A_463 : vector<16xf32>
      %mul3A_465 = arith.mulf %exp3A_464, %div3A_462 : vector<16xf32>
      %add3A_466 = arith.addf %div3A_462, %mul3A_465 : vector<16xf32>
      %add3A_467 = arith.constant 9.99999993E-9 : f32
      %add3A_468 = vector.broadcast %add3A_467 : f32 to vector<16xf32>
      %add3A_469 = arith.addf %add3A_466, %add3A_468 : vector<16xf32>
      %div3A_470 = arith.constant 1.000000e+00 : f32
      %div3A_471 = vector.broadcast %div3A_470 : f32 to vector<16xf32>
      %div3A_472 = arith.divf %div3A_471, %add3A_469 : vector<16xf32>
      %mul3A_473 = arith.mulf %div3A_462, %div3A_472 : vector<16xf32>
      %mul3A_474 = arith.mulf %mul3A_465, %div3A_472 : vector<16xf32>
      %swap3A_475 = arith.index_cast %multiple_of3A : i32 to index
      %swap3A_476 = tpu.vector_load %arg7[%swap3A_475] {strides = array<i32>} : memref<512xi32, #tpu.memory_space<vmem>>, vector<16xi32>,
      %swap3A_477 = vector.shape_cast %swap3A_476 : vector<16xi32> to vector<16xi32>
      %swap3A_478 = vector.shape_cast %select_n3A_268 : vector<16xi32> to vector<16xi32>
      tpu.vector_store %arg7[%swap3A_475], %swap3A_478 {strides = array<i32>} : memref<512xi32, #tpu.memory_space<vmem>>, vector<16xi32>,
      %swap3A_479 = arith.index_cast %multiple_of3A : i32 to index
      %swap3A_480 = tpu.vector_load %arg8[%swap3A_479] {strides = array<i32>} : memref<512xi32, #tpu.memory_space<vmem>>, vector<16xi32>,
      %swap3A_481 = vector.shape_cast %swap3A_480 : vector<16xi32> to vector<16xi32>
      %swap3A_482 = vector.shape_cast %select_n3A_415 : vector<16xi32> to vector<16xi32>
      tpu.vector_store %arg8[%swap3A_479], %swap3A_482 {strides = array<i32>} : memref<512xi32, #tpu.memory_space<vmem>>, vector<16xi32>,
      %swap3A_483 = arith.index_cast %multiple_of3A : i32 to index
      %swap3A_484 = tpu.vector_load %arg9[%swap3A_483] {strides = array<i32>} : memref<512xf32, #tpu.memory_space<vmem>>, vector<16xf32>,
      %swap3A_485 = vector.shape_cast %swap3A_484 : vector<16xf32> to vector<16xf32>
      %swap3A_486 = vector.shape_cast %mul3A_473 : vector<16xf32> to vector<16xf32>
      tpu.vector_store %arg9[%swap3A_483], %swap3A_486 {strides = array<i32>} : memref<512xf32, #tpu.memory_space<vmem>>, vector<16xf32>,
      %swap3A_487 = arith.index_cast %multiple_of3A : i32 to index
      %swap3A_488 = tpu.vector_load %arg10[%swap3A_487] {strides = array<i32>} : memref<512xf32, #tpu.memory_space<vmem>>, vector<16xf32>,
      %swap3A_489 = vector.shape_cast %swap3A_488 : vector<16xf32> to vector<16xf32>
      %swap3A_490 = vector.shape_cast %mul3A_474 : vector<16xf32> to vector<16xf32>
      tpu.vector_store %arg10[%swap3A_487], %swap3A_490 {strides = array<i32>} : memref<512xf32, #tpu.memory_space<vmem>>, vector<16xf32>,
      %broadcast_in_dim3A_491 = arith.constant 1.000000e+00 : f32
      %broadcast_in_dim3A_492 = vector.broadcast %broadcast_in_dim3A_491 : f32 to vector<16xf32>
      %broadcast_in_dim3A_493 = arith.constant 0 : i32
      %broadcast_in_dim3A_494 = vector.broadcast %broadcast_in_dim3A_493 : i32 to vector<16xi32>
      %eq3A_495 = arith.cmpi eq, %select_n3A_268, %broadcast_in_dim3A_494 : vector<16xi32>
      %select_n3A_496 = arith.select %eq3A_495, %broadcast_in_dim3A_492, %broadcast_in_dim3A_3 : vector<16xi1>, vector<16xf32>
      %eq3A_497 = arith.cmpi eq, %select_n3A_415, %broadcast_in_dim3A_494 : vector<16xi32>
      %select_n3A_498 = arith.select %eq3A_497, %broadcast_in_dim3A_492, %broadcast_in_dim3A_3 : vector<16xi1>, vector<16xf32>
      %add3A_499 = arith.addf %select_n3A_496, %select_n3A_498 : vector<16xf32>
      %get3A_500 = arith.constant 0 : i32
      %get3A_501 = arith.index_cast %get3A_500 : i32 to index
      %get3A_502 = arith.constant 0 : index
      %get3A_503 = tpu.vector_load %arg11[%get3A_501, %get3A_502] {strides = array<i32>} : memref<16x16xf32, #tpu.memory_space<vmem>>, vector<1x16xf32>,
      %get3A_504 = vector.shape_cast %get3A_503 : vector<1x16xf32> to vector<16xf32>
      %add3A_505 = arith.addf %get3A_504, %add3A_499 : vector<16xf32>
      %swap3A_506 = arith.constant 0 : i32
      %swap3A_507 = arith.index_cast %swap3A_506 : i32 to index
      %swap3A_508 = arith.constant 0 : index
      %swap3A_509 = tpu.vector_load %arg11[%swap3A_507, %swap3A_508] {strides = array<i32>} : memref<16x16xf32, #tpu.memory_space<vmem>>, vector<1x16xf32>,
      %swap3A_510 = vector.shape_cast %swap3A_509 : vector<1x16xf32> to vector<16xf32>
      %swap3A_511 = vector.shape_cast %add3A_505 : vector<16xf32> to vector<1x16xf32>
      tpu.vector_store %arg11[%swap3A_507, %swap3A_508], %swap3A_511 {strides = array<i32>} : memref<16x16xf32, #tpu.memory_space<vmem>>, vector<1x16xf32>,
      %broadcast_in_dim3A_512 = arith.constant 1 : i32
      %broadcast_in_dim3A_513 = vector.broadcast %broadcast_in_dim3A_512 : i32 to vector<16xi32>
      %eq3A_514 = arith.cmpi eq, %select_n3A_268, %broadcast_in_dim3A_513 : vector<16xi32>
      %select_n3A_515 = arith.select %eq3A_514, %broadcast_in_dim3A_492, %broadcast_in_dim3A_3 : vector<16xi1>, vector<16xf32>
      %eq3A_516 = arith.cmpi eq, %select_n3A_415, %broadcast_in_dim3A_513 : vector<16xi32>
      %select_n3A_517 = arith.select %eq3A_516, %broadcast_in_dim3A_492, %broadcast_in_dim3A_3 : vector<16xi1>, vector<16xf32>
      %add3A_518 = arith.addf %select_n3A_515, %select_n3A_517 : vector<16xf32>
      %get3A_519 = arith.constant 1 : i32
      %get3A_520 = arith.index_cast %get3A_519 : i32 to index
      %get3A_521 = arith.constant 0 : index
      %get3A_522 = tpu.vector_load %arg11[%get3A_520, %get3A_521] {strides = array<i32>} : memref<16x16xf32, #tpu.memory_space<vmem>>, vector<1x16xf32>,
      %get3A_523 = vector.shape_cast %get3A_522 : vector<1x16xf32> to vector<16xf32>
      %add3A_524 = arith.addf %get3A_523, %add3A_518 : vector<16xf32>
      %swap3A_525 = arith.constant 1 : i32
      %swap3A_526 = arith.index_cast %swap3A_525 : i32 to index
      %swap3A_527 = arith.constant 0 : index
      %swap3A_528 = tpu.vector_load %arg11[%swap3A_526, %swap3A_527] {strides = array<i32>} : memref<16x16xf32, #tpu.memory_space<vmem>>, vector<1x16xf32>,
      %swap3A_529 = vector.shape_cast %swap3A_528 : vector<1x16xf32> to vector<16xf32>
      %swap3A_530 = vector.shape_cast %add3A_524 : vector<16xf32> to vector<1x16xf32>
      tpu.vector_store %arg11[%swap3A_526, %swap3A_527], %swap3A_530 {strides = array<i32>} : memref<16x16xf32, #tpu.memory_space<vmem>>, vector<1x16xf32>,
      %broadcast_in_dim3A_531 = arith.constant 2 : i32
      %broadcast_in_dim3A_532 = vector.broadcast %broadcast_in_dim3A_531 : i32 to vector<16xi32>
      %eq3A_533 = arith.cmpi eq, %select_n3A_268, %broadcast_in_dim3A_532 : vector<16xi32>
      %select_n3A_534 = arith.select %eq3A_533, %broadcast_in_dim3A_492, %broadcast_in_dim3A_3 : vector<16xi1>, vector<16xf32>
      %eq3A_535 = arith.cmpi eq, %select_n3A_415, %broadcast_in_dim3A_532 : vector<16xi32>
      %select_n3A_536 = arith.select %eq3A_535, %broadcast_in_dim3A_492, %broadcast_in_dim3A_3 : vector<16xi1>, vector<16xf32>
      %add3A_537 = arith.addf %select_n3A_534, %select_n3A_536 : vector<16xf32>
      %get3A_538 = arith.constant 2 : i32
      %get3A_539 = arith.index_cast %get3A_538 : i32 to index
      %get3A_540 = arith.constant 0 : index
      %get3A_541 = tpu.vector_load %arg11[%get3A_539, %get3A_540] {strides = array<i32>} : memref<16x16xf32, #tpu.memory_space<vmem>>, vector<1x16xf32>,
      %get3A_542 = vector.shape_cast %get3A_541 : vector<1x16xf32> to vector<16xf32>
      %add3A_543 = arith.addf %get3A_542, %add3A_537 : vector<16xf32>
      %swap3A_544 = arith.constant 2 : i32
      %swap3A_545 = arith.index_cast %swap3A_544 : i32 to index
      %swap3A_546 = arith.constant 0 : index
      %swap3A_547 = tpu.vector_load %arg11[%swap3A_545, %swap3A_546] {strides = array<i32>} : memref<16x16xf32, #tpu.memory_space<vmem>>, vector<1x16xf32>,
      %swap3A_548 = vector.shape_cast %swap3A_547 : vector<1x16xf32> to vector<16xf32>
      %swap3A_549 = vector.shape_cast %add3A_543 : vector<16xf32> to vector<1x16xf32>
      tpu.vector_store %arg11[%swap3A_545, %swap3A_546], %swap3A_549 {strides = array<i32>} : memref<16x16xf32, #tpu.memory_space<vmem>>, vector<1x16xf32>,
      %broadcast_in_dim3A_550 = arith.constant 3 : i32
      %broadcast_in_dim3A_551 = vector.broadcast %broadcast_in_dim3A_550 : i32 to vector<16xi32>
      %eq3A_552 = arith.cmpi eq, %select_n3A_268, %broadcast_in_dim3A_551 : vector<16xi32>
      %select_n3A_553 = arith.select %eq3A_552, %broadcast_in_dim3A_492, %broadcast_in_dim3A_3 : vector<16xi1>, vector<16xf32>
      %eq3A_554 = arith.cmpi eq, %select_n3A_415, %broadcast_in_dim3A_551 : vector<16xi32>
      %select_n3A_555 = arith.select %eq3A_554, %broadcast_in_dim3A_492, %broadcast_in_dim3A_3 : vector<16xi1>, vector<16xf32>
      %add3A_556 = arith.addf %select_n3A_553, %select_n3A_555 : vector<16xf32>
      %get3A_557 = arith.constant 3 : i32
      %get3A_558 = arith.index_cast %get3A_557 : i32 to index
      %get3A_559 = arith.constant 0 : index
      %get3A_560 = tpu.vector_load %arg11[%get3A_558, %get3A_559] {strides = array<i32>} : memref<16x16xf32, #tpu.memory_space<vmem>>, vector<1x16xf32>,
      %get3A_561 = vector.shape_cast %get3A_560 : vector<1x16xf32> to vector<16xf32>
      %add3A_562 = arith.addf %get3A_561, %add3A_556 : vector<16xf32>
      %swap3A_563 = arith.constant 3 : i32
      %swap3A_564 = arith.index_cast %swap3A_563 : i32 to index
      %swap3A_565 = arith.constant 0 : index
      %swap3A_566 = tpu.vector_load %arg11[%swap3A_564, %swap3A_565] {strides = array<i32>} : memref<16x16xf32, #tpu.memory_space<vmem>>, vector<1x16xf32>,
      %swap3A_567 = vector.shape_cast %swap3A_566 : vector<1x16xf32> to vector<16xf32>
      %swap3A_568 = vector.shape_cast %add3A_562 : vector<16xf32> to vector<1x16xf32>
      tpu.vector_store %arg11[%swap3A_564, %swap3A_565], %swap3A_568 {strides = array<i32>} : memref<16x16xf32, #tpu.memory_space<vmem>>, vector<1x16xf32>,
      %broadcast_in_dim3A_569 = arith.constant 4 : i32
      %broadcast_in_dim3A_570 = vector.broadcast %broadcast_in_dim3A_569 : i32 to vector<16xi32>
      %eq3A_571 = arith.cmpi eq, %select_n3A_268, %broadcast_in_dim3A_570 : vector<16xi32>
      %select_n3A_572 = arith.select %eq3A_571, %broadcast_in_dim3A_492, %broadcast_in_dim3A_3 : vector<16xi1>, vector<16xf32>
      %eq3A_573 = arith.cmpi eq, %select_n3A_415, %broadcast_in_dim3A_570 : vector<16xi32>
      %select_n3A_574 = arith.select %eq3A_573, %broadcast_in_dim3A_492, %broadcast_in_dim3A_3 : vector<16xi1>, vector<16xf32>
      %add3A_575 = arith.addf %select_n3A_572, %select_n3A_574 : vector<16xf32>
      %get3A_576 = arith.constant 4 : i32
      %get3A_577 = arith.index_cast %get3A_576 : i32 to index
      %get3A_578 = arith.constant 0 : index
      %get3A_579 = tpu.vector_load %arg11[%get3A_577, %get3A_578] {strides = array<i32>} : memref<16x16xf32, #tpu.memory_space<vmem>>, vector<1x16xf32>,
      %get3A_580 = vector.shape_cast %get3A_579 : vector<1x16xf32> to vector<16xf32>
      %add3A_581 = arith.addf %get3A_580, %add3A_575 : vector<16xf32>
      %swap3A_582 = arith.constant 4 : i32
      %swap3A_583 = arith.index_cast %swap3A_582 : i32 to index
      %swap3A_584 = arith.constant 0 : index
      %swap3A_585 = tpu.vector_load %arg11[%swap3A_583, %swap3A_584] {strides = array<i32>} : memref<16x16xf32, #tpu.memory_space<vmem>>, vector<1x16xf32>,
      %swap3A_586 = vector.shape_cast %swap3A_585 : vector<1x16xf32> to vector<16xf32>
      %swap3A_587 = vector.shape_cast %add3A_581 : vector<16xf32> to vector<1x16xf32>
      tpu.vector_store %arg11[%swap3A_583, %swap3A_584], %swap3A_587 {strides = array<i32>} : memref<16x16xf32, #tpu.memory_space<vmem>>, vector<1x16xf32>,
      %broadcast_in_dim3A_588 = arith.constant 5 : i32
      %broadcast_in_dim3A_589 = vector.broadcast %broadcast_in_dim3A_588 : i32 to vector<16xi32>
      %eq3A_590 = arith.cmpi eq, %select_n3A_268, %broadcast_in_dim3A_589 : vector<16xi32>
      %select_n3A_591 = arith.select %eq3A_590, %broadcast_in_dim3A_492, %broadcast_in_dim3A_3 : vector<16xi1>, vector<16xf32>
      %eq3A_592 = arith.cmpi eq, %select_n3A_415, %broadcast_in_dim3A_589 : vector<16xi32>
      %select_n3A_593 = arith.select %eq3A_592, %broadcast_in_dim3A_492, %broadcast_in_dim3A_3 : vector<16xi1>, vector<16xf32>
      %add3A_594 = arith.addf %select_n3A_591, %select_n3A_593 : vector<16xf32>
      %get3A_595 = arith.constant 5 : i32
      %get3A_596 = arith.index_cast %get3A_595 : i32 to index
      %get3A_597 = arith.constant 0 : index
      %get3A_598 = tpu.vector_load %arg11[%get3A_596, %get3A_597] {strides = array<i32>} : memref<16x16xf32, #tpu.memory_space<vmem>>, vector<1x16xf32>,
      %get3A_599 = vector.shape_cast %get3A_598 : vector<1x16xf32> to vector<16xf32>
      %add3A_600 = arith.addf %get3A_599, %add3A_594 : vector<16xf32>
      %swap3A_601 = arith.constant 5 : i32
      %swap3A_602 = arith.index_cast %swap3A_601 : i32 to index
      %swap3A_603 = arith.constant 0 : index
      %swap3A_604 = tpu.vector_load %arg11[%swap3A_602, %swap3A_603] {strides = array<i32>} : memref<16x16xf32, #tpu.memory_space<vmem>>, vector<1x16xf32>,
      %swap3A_605 = vector.shape_cast %swap3A_604 : vector<1x16xf32> to vector<16xf32>
      %swap3A_606 = vector.shape_cast %add3A_600 : vector<16xf32> to vector<1x16xf32>
      tpu.vector_store %arg11[%swap3A_602, %swap3A_603], %swap3A_606 {strides = array<i32>} : memref<16x16xf32, #tpu.memory_space<vmem>>, vector<1x16xf32>,
      %broadcast_in_dim3A_607 = arith.constant 6 : i32
      %broadcast_in_dim3A_608 = vector.broadcast %broadcast_in_dim3A_607 : i32 to vector<16xi32>
      %eq3A_609 = arith.cmpi eq, %select_n3A_268, %broadcast_in_dim3A_608 : vector<16xi32>
      %select_n3A_610 = arith.select %eq3A_609, %broadcast_in_dim3A_492, %broadcast_in_dim3A_3 : vector<16xi1>, vector<16xf32>
      %eq3A_611 = arith.cmpi eq, %select_n3A_415, %broadcast_in_dim3A_608 : vector<16xi32>
      %select_n3A_612 = arith.select %eq3A_611, %broadcast_in_dim3A_492, %broadcast_in_dim3A_3 : vector<16xi1>, vector<16xf32>
      %add3A_613 = arith.addf %select_n3A_610, %select_n3A_612 : vector<16xf32>
      %get3A_614 = arith.constant 6 : i32
      %get3A_615 = arith.index_cast %get3A_614 : i32 to index
      %get3A_616 = arith.constant 0 : index
      %get3A_617 = tpu.vector_load %arg11[%get3A_615, %get3A_616] {strides = array<i32>} : memref<16x16xf32, #tpu.memory_space<vmem>>, vector<1x16xf32>,
      %get3A_618 = vector.shape_cast %get3A_617 : vector<1x16xf32> to vector<16xf32>
      %add3A_619 = arith.addf %get3A_618, %add3A_613 : vector<16xf32>
      %swap3A_620 = arith.constant 6 : i32
      %swap3A_621 = arith.index_cast %swap3A_620 : i32 to index
      %swap3A_622 = arith.constant 0 : index
      %swap3A_623 = tpu.vector_load %arg11[%swap3A_621, %swap3A_622] {strides = array<i32>} : memref<16x16xf32, #tpu.memory_space<vmem>>, vector<1x16xf32>,
      %swap3A_624 = vector.shape_cast %swap3A_623 : vector<1x16xf32> to vector<16xf32>
      %swap3A_625 = vector.shape_cast %add3A_619 : vector<16xf32> to vector<1x16xf32>
      tpu.vector_store %arg11[%swap3A_621, %swap3A_622], %swap3A_625 {strides = array<i32>} : memref<16x16xf32, #tpu.memory_space<vmem>>, vector<1x16xf32>,
      %broadcast_in_dim3A_626 = arith.constant 7 : i32
      %broadcast_in_dim3A_627 = vector.broadcast %broadcast_in_dim3A_626 : i32 to vector<16xi32>
      %eq3A_628 = arith.cmpi eq, %select_n3A_268, %broadcast_in_dim3A_627 : vector<16xi32>
      %select_n3A_629 = arith.select %eq3A_628, %broadcast_in_dim3A_492, %broadcast_in_dim3A_3 : vector<16xi1>, vector<16xf32>
      %eq3A_630 = arith.cmpi eq, %select_n3A_415, %broadcast_in_dim3A_627 : vector<16xi32>
      %select_n3A_631 = arith.select %eq3A_630, %broadcast_in_dim3A_492, %broadcast_in_dim3A_3 : vector<16xi1>, vector<16xf32>
      %add3A_632 = arith.addf %select_n3A_629, %select_n3A_631 : vector<16xf32>
      %get3A_633 = arith.constant 7 : i32
      %get3A_634 = arith.index_cast %get3A_633 : i32 to index
      %get3A_635 = arith.constant 0 : index
      %get3A_636 = tpu.vector_load %arg11[%get3A_634, %get3A_635] {strides = array<i32>} : memref<16x16xf32, #tpu.memory_space<vmem>>, vector<1x16xf32>,
      %get3A_637 = vector.shape_cast %get3A_636 : vector<1x16xf32> to vector<16xf32>
      %add3A_638 = arith.addf %get3A_637, %add3A_632 : vector<16xf32>
      %swap3A_639 = arith.constant 7 : i32
      %swap3A_640 = arith.index_cast %swap3A_639 : i32 to index
      %swap3A_641 = arith.constant 0 : index
      %swap3A_642 = tpu.vector_load %arg11[%swap3A_640, %swap3A_641] {strides = array<i32>} : memref<16x16xf32, #tpu.memory_space<vmem>>, vector<1x16xf32>,
      %swap3A_643 = vector.shape_cast %swap3A_642 : vector<1x16xf32> to vector<16xf32>
      %swap3A_644 = vector.shape_cast %add3A_638 : vector<16xf32> to vector<1x16xf32>
      tpu.vector_store %arg11[%swap3A_640, %swap3A_641], %swap3A_644 {strides = array<i32>} : memref<16x16xf32, #tpu.memory_space<vmem>>, vector<1x16xf32>,
      %broadcast_in_dim3A_645 = arith.constant 8 : i32
      %broadcast_in_dim3A_646 = vector.broadcast %broadcast_in_dim3A_645 : i32 to vector<16xi32>
      %eq3A_647 = arith.cmpi eq, %select_n3A_268, %broadcast_in_dim3A_646 : vector<16xi32>
      %select_n3A_648 = arith.select %eq3A_647, %broadcast_in_dim3A_492, %broadcast_in_dim3A_3 : vector<16xi1>, vector<16xf32>
      %eq3A_649 = arith.cmpi eq, %select_n3A_415, %broadcast_in_dim3A_646 : vector<16xi32>
      %select_n3A_650 = arith.select %eq3A_649, %broadcast_in_dim3A_492, %broadcast_in_dim3A_3 : vector<16xi1>, vector<16xf32>
      %add3A_651 = arith.addf %select_n3A_648, %select_n3A_650 : vector<16xf32>
      %get3A_652 = arith.constant 8 : i32
      %get3A_653 = arith.index_cast %get3A_652 : i32 to index
      %get3A_654 = arith.constant 0 : index
      %get3A_655 = tpu.vector_load %arg11[%get3A_653, %get3A_654] {strides = array<i32>} : memref<16x16xf32, #tpu.memory_space<vmem>>, vector<1x16xf32>,
      %get3A_656 = vector.shape_cast %get3A_655 : vector<1x16xf32> to vector<16xf32>
      %add3A_657 = arith.addf %get3A_656, %add3A_651 : vector<16xf32>
      %swap3A_658 = arith.constant 8 : i32
      %swap3A_659 = arith.index_cast %swap3A_658 : i32 to index
      %swap3A_660 = arith.constant 0 : index
      %swap3A_661 = tpu.vector_load %arg11[%swap3A_659, %swap3A_660] {strides = array<i32>} : memref<16x16xf32, #tpu.memory_space<vmem>>, vector<1x16xf32>,
      %swap3A_662 = vector.shape_cast %swap3A_661 : vector<1x16xf32> to vector<16xf32>
      %swap3A_663 = vector.shape_cast %add3A_657 : vector<16xf32> to vector<1x16xf32>
      tpu.vector_store %arg11[%swap3A_659, %swap3A_660], %swap3A_663 {strides = array<i32>} : memref<16x16xf32, #tpu.memory_space<vmem>>, vector<1x16xf32>,
      %broadcast_in_dim3A_664 = arith.constant 9 : i32
      %broadcast_in_dim3A_665 = vector.broadcast %broadcast_in_dim3A_664 : i32 to vector<16xi32>
      %eq3A_666 = arith.cmpi eq, %select_n3A_268, %broadcast_in_dim3A_665 : vector<16xi32>
      %select_n3A_667 = arith.select %eq3A_666, %broadcast_in_dim3A_492, %broadcast_in_dim3A_3 : vector<16xi1>, vector<16xf32>
      %eq3A_668 = arith.cmpi eq, %select_n3A_415, %broadcast_in_dim3A_665 : vector<16xi32>
      %select_n3A_669 = arith.select %eq3A_668, %broadcast_in_dim3A_492, %broadcast_in_dim3A_3 : vector<16xi1>, vector<16xf32>
      %add3A_670 = arith.addf %select_n3A_667, %select_n3A_669 : vector<16xf32>
      %get3A_671 = arith.constant 9 : i32
      %get3A_672 = arith.index_cast %get3A_671 : i32 to index
      %get3A_673 = arith.constant 0 : index
      %get3A_674 = tpu.vector_load %arg11[%get3A_672, %get3A_673] {strides = array<i32>} : memref<16x16xf32, #tpu.memory_space<vmem>>, vector<1x16xf32>,
      %get3A_675 = vector.shape_cast %get3A_674 : vector<1x16xf32> to vector<16xf32>
      %add3A_676 = arith.addf %get3A_675, %add3A_670 : vector<16xf32>
      %swap3A_677 = arith.constant 9 : i32
      %swap3A_678 = arith.index_cast %swap3A_677 : i32 to index
      %swap3A_679 = arith.constant 0 : index
      %swap3A_680 = tpu.vector_load %arg11[%swap3A_678, %swap3A_679] {strides = array<i32>} : memref<16x16xf32, #tpu.memory_space<vmem>>, vector<1x16xf32>,
      %swap3A_681 = vector.shape_cast %swap3A_680 : vector<1x16xf32> to vector<16xf32>
      %swap3A_682 = vector.shape_cast %add3A_676 : vector<16xf32> to vector<1x16xf32>
      tpu.vector_store %arg11[%swap3A_678, %swap3A_679], %swap3A_682 {strides = array<i32>} : memref<16x16xf32, #tpu.memory_space<vmem>>, vector<1x16xf32>,
      %broadcast_in_dim3A_683 = arith.constant 10 : i32
      %broadcast_in_dim3A_684 = vector.broadcast %broadcast_in_dim3A_683 : i32 to vector<16xi32>
      %eq3A_685 = arith.cmpi eq, %select_n3A_268, %broadcast_in_dim3A_684 : vector<16xi32>
      %select_n3A_686 = arith.select %eq3A_685, %broadcast_in_dim3A_492, %broadcast_in_dim3A_3 : vector<16xi1>, vector<16xf32>
      %eq3A_687 = arith.cmpi eq, %select_n3A_415, %broadcast_in_dim3A_684 : vector<16xi32>
      %select_n3A_688 = arith.select %eq3A_687, %broadcast_in_dim3A_492, %broadcast_in_dim3A_3 : vector<16xi1>, vector<16xf32>
      %add3A_689 = arith.addf %select_n3A_686, %select_n3A_688 : vector<16xf32>
      %get3A_690 = arith.constant 10 : i32
      %get3A_691 = arith.index_cast %get3A_690 : i32 to index
      %get3A_692 = arith.constant 0 : index
      %get3A_693 = tpu.vector_load %arg11[%get3A_691, %get3A_692] {strides = array<i32>} : memref<16x16xf32, #tpu.memory_space<vmem>>, vector<1x16xf32>,
      %get3A_694 = vector.shape_cast %get3A_693 : vector<1x16xf32> to vector<16xf32>
      %add3A_695 = arith.addf %get3A_694, %add3A_689 : vector<16xf32>
      %swap3A_696 = arith.constant 10 : i32
      %swap3A_697 = arith.index_cast %swap3A_696 : i32 to index
      %swap3A_698 = arith.constant 0 : index
      %swap3A_699 = tpu.vector_load %arg11[%swap3A_697, %swap3A_698] {strides = array<i32>} : memref<16x16xf32, #tpu.memory_space<vmem>>, vector<1x16xf32>,
      %swap3A_700 = vector.shape_cast %swap3A_699 : vector<1x16xf32> to vector<16xf32>
      %swap3A_701 = vector.shape_cast %add3A_695 : vector<16xf32> to vector<1x16xf32>
      tpu.vector_store %arg11[%swap3A_697, %swap3A_698], %swap3A_701 {strides = array<i32>} : memref<16x16xf32, #tpu.memory_space<vmem>>, vector<1x16xf32>,
      %broadcast_in_dim3A_702 = arith.constant 11 : i32
      %broadcast_in_dim3A_703 = vector.broadcast %broadcast_in_dim3A_702 : i32 to vector<16xi32>
      %eq3A_704 = arith.cmpi eq, %select_n3A_268, %broadcast_in_dim3A_703 : vector<16xi32>
      %select_n3A_705 = arith.select %eq3A_704, %broadcast_in_dim3A_492, %broadcast_in_dim3A_3 : vector<16xi1>, vector<16xf32>
      %eq3A_706 = arith.cmpi eq, %select_n3A_415, %broadcast_in_dim3A_703 : vector<16xi32>
      %select_n3A_707 = arith.select %eq3A_706, %broadcast_in_dim3A_492, %broadcast_in_dim3A_3 : vector<16xi1>, vector<16xf32>
      %add3A_708 = arith.addf %select_n3A_705, %select_n3A_707 : vector<16xf32>
      %get3A_709 = arith.constant 11 : i32
      %get3A_710 = arith.index_cast %get3A_709 : i32 to index
      %get3A_711 = arith.constant 0 : index
      %get3A_712 = tpu.vector_load %arg11[%get3A_710, %get3A_711] {strides = array<i32>} : memref<16x16xf32, #tpu.memory_space<vmem>>, vector<1x16xf32>,
      %get3A_713 = vector.shape_cast %get3A_712 : vector<1x16xf32> to vector<16xf32>
      %add3A_714 = arith.addf %get3A_713, %add3A_708 : vector<16xf32>
      %swap3A_715 = arith.constant 11 : i32
      %swap3A_716 = arith.index_cast %swap3A_715 : i32 to index
      %swap3A_717 = arith.constant 0 : index
      %swap3A_718 = tpu.vector_load %arg11[%swap3A_716, %swap3A_717] {strides = array<i32>} : memref<16x16xf32, #tpu.memory_space<vmem>>, vector<1x16xf32>,
      %swap3A_719 = vector.shape_cast %swap3A_718 : vector<1x16xf32> to vector<16xf32>
      %swap3A_720 = vector.shape_cast %add3A_714 : vector<16xf32> to vector<1x16xf32>
      tpu.vector_store %arg11[%swap3A_716, %swap3A_717], %swap3A_720 {strides = array<i32>} : memref<16x16xf32, #tpu.memory_space<vmem>>, vector<1x16xf32>,
      %broadcast_in_dim3A_721 = arith.constant 12 : i32
      %broadcast_in_dim3A_722 = vector.broadcast %broadcast_in_dim3A_721 : i32 to vector<16xi32>
      %eq3A_723 = arith.cmpi eq, %select_n3A_268, %broadcast_in_dim3A_722 : vector<16xi32>
      %select_n3A_724 = arith.select %eq3A_723, %broadcast_in_dim3A_492, %broadcast_in_dim3A_3 : vector<16xi1>, vector<16xf32>
      %eq3A_725 = arith.cmpi eq, %select_n3A_415, %broadcast_in_dim3A_722 : vector<16xi32>
      %select_n3A_726 = arith.select %eq3A_725, %broadcast_in_dim3A_492, %broadcast_in_dim3A_3 : vector<16xi1>, vector<16xf32>
      %add3A_727 = arith.addf %select_n3A_724, %select_n3A_726 : vector<16xf32>
      %get3A_728 = arith.constant 12 : i32
      %get3A_729 = arith.index_cast %get3A_728 : i32 to index
      %get3A_730 = arith.constant 0 : index
      %get3A_731 = tpu.vector_load %arg11[%get3A_729, %get3A_730] {strides = array<i32>} : memref<16x16xf32, #tpu.memory_space<vmem>>, vector<1x16xf32>,
      %get3A_732 = vector.shape_cast %get3A_731 : vector<1x16xf32> to vector<16xf32>
      %add3A_733 = arith.addf %get3A_732, %add3A_727 : vector<16xf32>
      %swap3A_734 = arith.constant 12 : i32
      %swap3A_735 = arith.index_cast %swap3A_734 : i32 to index
      %swap3A_736 = arith.constant 0 : index
      %swap3A_737 = tpu.vector_load %arg11[%swap3A_735, %swap3A_736] {strides = array<i32>} : memref<16x16xf32, #tpu.memory_space<vmem>>, vector<1x16xf32>,
      %swap3A_738 = vector.shape_cast %swap3A_737 : vector<1x16xf32> to vector<16xf32>
      %swap3A_739 = vector.shape_cast %add3A_733 : vector<16xf32> to vector<1x16xf32>
      tpu.vector_store %arg11[%swap3A_735, %swap3A_736], %swap3A_739 {strides = array<i32>} : memref<16x16xf32, #tpu.memory_space<vmem>>, vector<1x16xf32>,
      %broadcast_in_dim3A_740 = arith.constant 13 : i32
      %broadcast_in_dim3A_741 = vector.broadcast %broadcast_in_dim3A_740 : i32 to vector<16xi32>
      %eq3A_742 = arith.cmpi eq, %select_n3A_268, %broadcast_in_dim3A_741 : vector<16xi32>
      %select_n3A_743 = arith.select %eq3A_742, %broadcast_in_dim3A_492, %broadcast_in_dim3A_3 : vector<16xi1>, vector<16xf32>
      %eq3A_744 = arith.cmpi eq, %select_n3A_415, %broadcast_in_dim3A_741 : vector<16xi32>
      %select_n3A_745 = arith.select %eq3A_744, %broadcast_in_dim3A_492, %broadcast_in_dim3A_3 : vector<16xi1>, vector<16xf32>
      %add3A_746 = arith.addf %select_n3A_743, %select_n3A_745 : vector<16xf32>
      %get3A_747 = arith.constant 13 : i32
      %get3A_748 = arith.index_cast %get3A_747 : i32 to index
      %get3A_749 = arith.constant 0 : index
      %get3A_750 = tpu.vector_load %arg11[%get3A_748, %get3A_749] {strides = array<i32>} : memref<16x16xf32, #tpu.memory_space<vmem>>, vector<1x16xf32>,
      %get3A_751 = vector.shape_cast %get3A_750 : vector<1x16xf32> to vector<16xf32>
      %add3A_752 = arith.addf %get3A_751, %add3A_746 : vector<16xf32>
      %swap3A_753 = arith.constant 13 : i32
      %swap3A_754 = arith.index_cast %swap3A_753 : i32 to index
      %swap3A_755 = arith.constant 0 : index
      %swap3A_756 = tpu.vector_load %arg11[%swap3A_754, %swap3A_755] {strides = array<i32>} : memref<16x16xf32, #tpu.memory_space<vmem>>, vector<1x16xf32>,
      %swap3A_757 = vector.shape_cast %swap3A_756 : vector<1x16xf32> to vector<16xf32>
      %swap3A_758 = vector.shape_cast %add3A_752 : vector<16xf32> to vector<1x16xf32>
      tpu.vector_store %arg11[%swap3A_754, %swap3A_755], %swap3A_758 {strides = array<i32>} : memref<16x16xf32, #tpu.memory_space<vmem>>, vector<1x16xf32>,
      %broadcast_in_dim3A_759 = arith.constant 14 : i32
      %broadcast_in_dim3A_760 = vector.broadcast %broadcast_in_dim3A_759 : i32 to vector<16xi32>
      %eq3A_761 = arith.cmpi eq, %select_n3A_268, %broadcast_in_dim3A_760 : vector<16xi32>
      %select_n3A_762 = arith.select %eq3A_761, %broadcast_in_dim3A_492, %broadcast_in_dim3A_3 : vector<16xi1>, vector<16xf32>
      %eq3A_763 = arith.cmpi eq, %select_n3A_415, %broadcast_in_dim3A_760 : vector<16xi32>
      %select_n3A_764 = arith.select %eq3A_763, %broadcast_in_dim3A_492, %broadcast_in_dim3A_3 : vector<16xi1>, vector<16xf32>
      %add3A_765 = arith.addf %select_n3A_762, %select_n3A_764 : vector<16xf32>
      %get3A_766 = arith.constant 14 : i32
      %get3A_767 = arith.index_cast %get3A_766 : i32 to index
      %get3A_768 = arith.constant 0 : index
      %get3A_769 = tpu.vector_load %arg11[%get3A_767, %get3A_768] {strides = array<i32>} : memref<16x16xf32, #tpu.memory_space<vmem>>, vector<1x16xf32>,
      %get3A_770 = vector.shape_cast %get3A_769 : vector<1x16xf32> to vector<16xf32>
      %add3A_771 = arith.addf %get3A_770, %add3A_765 : vector<16xf32>
      %swap3A_772 = arith.constant 14 : i32
      %swap3A_773 = arith.index_cast %swap3A_772 : i32 to index
      %swap3A_774 = arith.constant 0 : index
      %swap3A_775 = tpu.vector_load %arg11[%swap3A_773, %swap3A_774] {strides = array<i32>} : memref<16x16xf32, #tpu.memory_space<vmem>>, vector<1x16xf32>,
      %swap3A_776 = vector.shape_cast %swap3A_775 : vector<1x16xf32> to vector<16xf32>
      %swap3A_777 = vector.shape_cast %add3A_771 : vector<16xf32> to vector<1x16xf32>
      tpu.vector_store %arg11[%swap3A_773, %swap3A_774], %swap3A_777 {strides = array<i32>} : memref<16x16xf32, #tpu.memory_space<vmem>>, vector<1x16xf32>,
      %broadcast_in_dim3A_778 = arith.constant 15 : i32
      %broadcast_in_dim3A_779 = vector.broadcast %broadcast_in_dim3A_778 : i32 to vector<16xi32>
      %eq3A_780 = arith.cmpi eq, %select_n3A_268, %broadcast_in_dim3A_779 : vector<16xi32>
      %select_n3A_781 = arith.select %eq3A_780, %broadcast_in_dim3A_492, %broadcast_in_dim3A_3 : vector<16xi1>, vector<16xf32>
      %eq3A_782 = arith.cmpi eq, %select_n3A_415, %broadcast_in_dim3A_779 : vector<16xi32>
      %select_n3A_783 = arith.select %eq3A_782, %broadcast_in_dim3A_492, %broadcast_in_dim3A_3 : vector<16xi1>, vector<16xf32>
      %add3A_784 = arith.addf %select_n3A_781, %select_n3A_783 : vector<16xf32>
      %get3A_785 = arith.constant 15 : i32
      %get3A_786 = arith.index_cast %get3A_785 : i32 to index
      %get3A_787 = arith.constant 0 : index
      %get3A_788 = tpu.vector_load %arg11[%get3A_786, %get3A_787] {strides = array<i32>} : memref<16x16xf32, #tpu.memory_space<vmem>>, vector<1x16xf32>,
      %get3A_789 = vector.shape_cast %get3A_788 : vector<1x16xf32> to vector<16xf32>
      %add3A_790 = arith.addf %get3A_789, %add3A_784 : vector<16xf32>
      %swap3A_791 = arith.constant 15 : i32
      %swap3A_792 = arith.index_cast %swap3A_791 : i32 to index
      %swap3A_793 = arith.constant 0 : index
      %swap3A_794 = tpu.vector_load %arg11[%swap3A_792, %swap3A_793] {strides = array<i32>} : memref<16x16xf32, #tpu.memory_space<vmem>>, vector<1x16xf32>,
      %swap3A_795 = vector.shape_cast %swap3A_794 : vector<1x16xf32> to vector<16xf32>
      %swap3A_796 = vector.shape_cast %add3A_790 : vector<16xf32> to vector<1x16xf32>
      tpu.vector_store %arg11[%swap3A_792, %swap3A_793], %swap3A_796 {strides = array<i32>} : memref<16x16xf32, #tpu.memory_space<vmem>>, vector<1x16xf32>,
      %scan3A_797 = arith.constant 0 : i32
      scf.yield %scan3A_797 : i32
    }
    %scan3A_104 = arith.constant 32 : i32
    %run_scoped3A = arith.constant 0 : i32
    "tpu.region"() ({
      %run_scoped3A_108 = tpu.sem_alloc : memref<!tpu.dma_semaphore, #tpu.memory_space<semaphore_mem>>
      %dma_start3A = tpu.memref_slice %arg3[%run_scoped3A, %mul3A_2] : memref<2x16384xi32, #tpu.memory_space<hbm>> -> memref<1x512xi32, #tpu.memory_space<hbm>>
      %dma_start3A_109 = tpu.memref_squeeze %dma_start3A : memref<1x512xi32, #tpu.memory_space<hbm>> -> memref<512xi32, #tpu.memory_space<hbm>>
      %dma_start3A_110 = tpu.memref_slice %arg3[%run_scoped3A, %mul3A_2] : memref<2x16384xi32, #tpu.memory_space<hbm>> -> memref<1x512xi32, #tpu.memory_space<hbm>>
      %dma_start3A_111 = tpu.memref_squeeze %dma_start3A_110 : memref<1x512xi32, #tpu.memory_space<hbm>> -> memref<512xi32, #tpu.memory_space<hbm>>
      tpu.enqueue_dma source(%arg7 : memref<512xi32, #tpu.memory_space<vmem>>) target(%dma_start3A_111 : memref<512xi32, #tpu.memory_space<hbm>>) target_semaphore(%run_scoped3A_108 : memref<!tpu.dma_semaphore, #tpu.memory_space<semaphore_mem>>)
      %dma_wait3A = tpu.memref_slice %arg3[%run_scoped3A, %mul3A_2] : memref<2x16384xi32, #tpu.memory_space<hbm>> -> memref<1x512xi32, #tpu.memory_space<hbm>>
      %dma_wait3A_112 = tpu.memref_squeeze %dma_wait3A : memref<1x512xi32, #tpu.memory_space<hbm>> -> memref<512xi32, #tpu.memory_space<hbm>>
      %dma_wait3A_113 = tpu.memref_slice %arg3[%run_scoped3A, %mul3A_2] : memref<2x16384xi32, #tpu.memory_space<hbm>> -> memref<1x512xi32, #tpu.memory_space<hbm>>
      %dma_wait3A_114 = tpu.memref_squeeze %dma_wait3A_113 : memref<1x512xi32, #tpu.memory_space<hbm>> -> memref<512xi32, #tpu.memory_space<hbm>>
      tpu.wait_dma2 semaphore(%run_scoped3A_108 : memref<!tpu.dma_semaphore, #tpu.memory_space<semaphore_mem>>) src(%arg7 : memref<512xi32, #tpu.memory_space<vmem>>) dst(%dma_wait3A_114 : memref<512xi32, #tpu.memory_space<hbm>>)
      tpu.yield
    }) : () -> ()
    %run_scoped3A_105 = arith.constant 1 : i32
    "tpu.region"() ({
      %run_scoped3A_108 = tpu.sem_alloc : memref<!tpu.dma_semaphore, #tpu.memory_space<semaphore_mem>>
      %dma_start3A = tpu.memref_slice %arg3[%run_scoped3A_105, %mul3A_2] : memref<2x16384xi32, #tpu.memory_space<hbm>> -> memref<1x512xi32, #tpu.memory_space<hbm>>
      %dma_start3A_109 = tpu.memref_squeeze %dma_start3A : memref<1x512xi32, #tpu.memory_space<hbm>> -> memref<512xi32, #tpu.memory_space<hbm>>
      %dma_start3A_110 = tpu.memref_slice %arg3[%run_scoped3A_105, %mul3A_2] : memref<2x16384xi32, #tpu.memory_space<hbm>> -> memref<1x512xi32, #tpu.memory_space<hbm>>
      %dma_start3A_111 = tpu.memref_squeeze %dma_start3A_110 : memref<1x512xi32, #tpu.memory_space<hbm>> -> memref<512xi32, #tpu.memory_space<hbm>>
      tpu.enqueue_dma source(%arg8 : memref<512xi32, #tpu.memory_space<vmem>>) target(%dma_start3A_111 : memref<512xi32, #tpu.memory_space<hbm>>) target_semaphore(%run_scoped3A_108 : memref<!tpu.dma_semaphore, #tpu.memory_space<semaphore_mem>>)
      %dma_wait3A = tpu.memref_slice %arg3[%run_scoped3A_105, %mul3A_2] : memref<2x16384xi32, #tpu.memory_space<hbm>> -> memref<1x512xi32, #tpu.memory_space<hbm>>
      %dma_wait3A_112 = tpu.memref_squeeze %dma_wait3A : memref<1x512xi32, #tpu.memory_space<hbm>> -> memref<512xi32, #tpu.memory_space<hbm>>
      %dma_wait3A_113 = tpu.memref_slice %arg3[%run_scoped3A_105, %mul3A_2] : memref<2x16384xi32, #tpu.memory_space<hbm>> -> memref<1x512xi32, #tpu.memory_space<hbm>>
      %dma_wait3A_114 = tpu.memref_squeeze %dma_wait3A_113 : memref<1x512xi32, #tpu.memory_space<hbm>> -> memref<512xi32, #tpu.memory_space<hbm>>
      tpu.wait_dma2 semaphore(%run_scoped3A_108 : memref<!tpu.dma_semaphore, #tpu.memory_space<semaphore_mem>>) src(%arg8 : memref<512xi32, #tpu.memory_space<vmem>>) dst(%dma_wait3A_114 : memref<512xi32, #tpu.memory_space<hbm>>)
      tpu.yield
    }) : () -> ()
    %run_scoped3A_106 = arith.constant 0 : i32
    "tpu.region"() ({
      %run_scoped3A_108 = tpu.sem_alloc : memref<!tpu.dma_semaphore, #tpu.memory_space<semaphore_mem>>
      %dma_start3A = tpu.memref_slice %arg4[%run_scoped3A_106, %mul3A_2] : memref<2x16384xf32, #tpu.memory_space<hbm>> -> memref<1x512xf32, #tpu.memory_space<hbm>>
      %dma_start3A_109 = tpu.memref_squeeze %dma_start3A : memref<1x512xf32, #tpu.memory_space<hbm>> -> memref<512xf32, #tpu.memory_space<hbm>>
      %dma_start3A_110 = tpu.memref_slice %arg4[%run_scoped3A_106, %mul3A_2] : memref<2x16384xf32, #tpu.memory_space<hbm>> -> memref<1x512xf32, #tpu.memory_space<hbm>>
      %dma_start3A_111 = tpu.memref_squeeze %dma_start3A_110 : memref<1x512xf32, #tpu.memory_space<hbm>> -> memref<512xf32, #tpu.memory_space<hbm>>
      tpu.enqueue_dma source(%arg9 : memref<512xf32, #tpu.memory_space<vmem>>) target(%dma_start3A_111 : memref<512xf32, #tpu.memory_space<hbm>>) target_semaphore(%run_scoped3A_108 : memref<!tpu.dma_semaphore, #tpu.memory_space<semaphore_mem>>)
      %dma_wait3A = tpu.memref_slice %arg4[%run_scoped3A_106, %mul3A_2] : memref<2x16384xf32, #tpu.memory_space<hbm>> -> memref<1x512xf32, #tpu.memory_space<hbm>>
      %dma_wait3A_112 = tpu.memref_squeeze %dma_wait3A : memref<1x512xf32, #tpu.memory_space<hbm>> -> memref<512xf32, #tpu.memory_space<hbm>>
      %dma_wait3A_113 = tpu.memref_slice %arg4[%run_scoped3A_106, %mul3A_2] : memref<2x16384xf32, #tpu.memory_space<hbm>> -> memref<1x512xf32, #tpu.memory_space<hbm>>
      %dma_wait3A_114 = tpu.memref_squeeze %dma_wait3A_113 : memref<1x512xf32, #tpu.memory_space<hbm>> -> memref<512xf32, #tpu.memory_space<hbm>>
      tpu.wait_dma2 semaphore(%run_scoped3A_108 : memref<!tpu.dma_semaphore, #tpu.memory_space<semaphore_mem>>) src(%arg9 : memref<512xf32, #tpu.memory_space<vmem>>) dst(%dma_wait3A_114 : memref<512xf32, #tpu.memory_space<hbm>>)
      tpu.yield
    }) : () -> ()
    %run_scoped3A_107 = arith.constant 1 : i32
    "tpu.region"() ({
      %run_scoped3A_108 = tpu.sem_alloc : memref<!tpu.dma_semaphore, #tpu.memory_space<semaphore_mem>>
      %dma_start3A = tpu.memref_slice %arg4[%run_scoped3A_107, %mul3A_2] : memref<2x16384xf32, #tpu.memory_space<hbm>> -> memref<1x512xf32, #tpu.memory_space<hbm>>
      %dma_start3A_109 = tpu.memref_squeeze %dma_start3A : memref<1x512xf32, #tpu.memory_space<hbm>> -> memref<512xf32, #tpu.memory_space<hbm>>
      %dma_start3A_110 = tpu.memref_slice %arg4[%run_scoped3A_107, %mul3A_2] : memref<2x16384xf32, #tpu.memory_space<hbm>> -> memref<1x512xf32, #tpu.memory_space<hbm>>
      %dma_start3A_111 = tpu.memref_squeeze %dma_start3A_110 : memref<1x512xf32, #tpu.memory_space<hbm>> -> memref<512xf32, #tpu.memory_space<hbm>>
      tpu.enqueue_dma source(%arg10 : memref<512xf32, #tpu.memory_space<vmem>>) target(%dma_start3A_111 : memref<512xf32, #tpu.memory_space<hbm>>) target_semaphore(%run_scoped3A_108 : memref<!tpu.dma_semaphore, #tpu.memory_space<semaphore_mem>>)
      %dma_wait3A = tpu.memref_slice %arg4[%run_scoped3A_107, %mul3A_2] : memref<2x16384xf32, #tpu.memory_space<hbm>> -> memref<1x512xf32, #tpu.memory_space<hbm>>
      %dma_wait3A_112 = tpu.memref_squeeze %dma_wait3A : memref<1x512xf32, #tpu.memory_space<hbm>> -> memref<512xf32, #tpu.memory_space<hbm>>
      %dma_wait3A_113 = tpu.memref_slice %arg4[%run_scoped3A_107, %mul3A_2] : memref<2x16384xf32, #tpu.memory_space<hbm>> -> memref<1x512xf32, #tpu.memory_space<hbm>>
      %dma_wait3A_114 = tpu.memref_squeeze %dma_wait3A_113 : memref<1x512xf32, #tpu.memory_space<hbm>> -> memref<512xf32, #tpu.memory_space<hbm>>
      tpu.wait_dma2 semaphore(%run_scoped3A_108 : memref<!tpu.dma_semaphore, #tpu.memory_space<semaphore_mem>>) src(%arg10 : memref<512xf32, #tpu.memory_space<vmem>>) dst(%dma_wait3A_114 : memref<512xf32, #tpu.memory_space<hbm>>)
      tpu.yield
    }) : () -> ()
    "tpu.region"() ({
      %run_scoped3A_108 = tpu.sem_alloc : memref<!tpu.dma_semaphore, #tpu.memory_space<semaphore_mem>>
      %dma_start3A = arith.constant 0 : i32
      %dma_start3A_109 = arith.constant 0 : i32
      %dma_start3A_110 = tpu.memref_slice %arg5[%add3A, %dma_start3A, %dma_start3A_109] : memref<32x16x16xf32, #tpu.memory_space<hbm>> -> memref<1x16x16xf32, #tpu.memory_space<hbm>>
      %dma_start3A_111 = tpu.memref_squeeze %dma_start3A_110 : memref<1x16x16xf32, #tpu.memory_space<hbm>> -> memref<16x16xf32, #tpu.memory_space<hbm>>
      %dma_start3A_112 = arith.constant 0 : i32
      %dma_start3A_113 = arith.constant 0 : i32
      %dma_start3A_114 = tpu.memref_slice %arg5[%add3A, %dma_start3A_112, %dma_start3A_113] : memref<32x16x16xf32, #tpu.memory_space<hbm>> -> memref<1x16x16xf32, #tpu.memory_space<hbm>>
      %dma_start3A_115 = tpu.memref_squeeze %dma_start3A_114 : memref<1x16x16xf32, #tpu.memory_space<hbm>> -> memref<16x16xf32, #tpu.memory_space<hbm>>
      tpu.enqueue_dma source(%arg11 : memref<16x16xf32, #tpu.memory_space<vmem>>) target(%dma_start3A_115 : memref<16x16xf32, #tpu.memory_space<hbm>>) target_semaphore(%run_scoped3A_108 : memref<!tpu.dma_semaphore, #tpu.memory_space<semaphore_mem>>)
      %dma_wait3A = arith.constant 0 : i32
      %dma_wait3A_116 = arith.constant 0 : i32
      %dma_wait3A_117 = tpu.memref_slice %arg5[%add3A, %dma_wait3A, %dma_wait3A_116] : memref<32x16x16xf32, #tpu.memory_space<hbm>> -> memref<1x16x16xf32, #tpu.memory_space<hbm>>
      %dma_wait3A_118 = tpu.memref_squeeze %dma_wait3A_117 : memref<1x16x16xf32, #tpu.memory_space<hbm>> -> memref<16x16xf32, #tpu.memory_space<hbm>>
      %dma_wait3A_119 = arith.constant 0 : i32
      %dma_wait3A_120 = arith.constant 0 : i32
      %dma_wait3A_121 = tpu.memref_slice %arg5[%add3A, %dma_wait3A_119, %dma_wait3A_120] : memref<32x16x16xf32, #tpu.memory_space<hbm>> -> memref<1x16x16xf32, #tpu.memory_space<hbm>>
      %dma_wait3A_122 = tpu.memref_squeeze %dma_wait3A_121 : memref<1x16x16xf32, #tpu.memory_space<hbm>> -> memref<16x16xf32, #tpu.memory_space<hbm>>
      tpu.wait_dma2 semaphore(%run_scoped3A_108 : memref<!tpu.dma_semaphore, #tpu.memory_space<semaphore_mem>>) src(%arg11 : memref<16x16xf32, #tpu.memory_space<vmem>>) dst(%dma_wait3A_122 : memref<16x16xf32, #tpu.memory_space<hbm>>)
      tpu.yield
    }) : () -> ()
    return
  }
}

module attributes {stable_mosaic.version = 14 : i64} {
  func.func @_gate_block(%arg0: i32, %arg1: memref<16x2048xf32, #tpu.memory_space<vmem>>, %arg2: memref<512x2048xf32, #tpu.memory_space<vmem>>, %arg3: memref<512x2048xf32, #tpu.memory_space<vmem>>, %arg4: memref<16x1024xf32, #tpu.memory_space<vmem>>, %arg5: memref<1x1xf32, #tpu.memory_space<vmem>>, %arg6: memref<1x1xf32, #tpu.memory_space<vmem>>) attributes {dimension_semantics = [#tpu.dimension_semantics<arbitrary>], iteration_bounds = array<i64: 16>, scalar_prefetch = 0 : i64, scratch_operands = 0 : i64, tpu.core_type = #tpu.core_type<tc>, window_params = [{pipeline_mode = #tpu.pipeline_mode<synchronous>, transform_indices = @transform_0, window_bounds = array<i64: 16, 2048>}, {transform_indices = @transform_1, window_bounds = array<i64: 512, 2048>}, {transform_indices = @transform_2, window_bounds = array<i64: 512, 2048>}, {transform_indices = @transform_3, window_bounds = array<i64: 16, 1024>}, {pipeline_mode = #tpu.pipeline_mode<synchronous>, transform_indices = @transform_4, window_bounds = array<i64: 1, 1>}, {pipeline_mode = #tpu.pipeline_mode<synchronous>, transform_indices = @transform_5, window_bounds = array<i64: 1, 1>}]} {
    %get3A = arith.constant 0 : index
    %get3A_0 = arith.constant 0 : index
    %get3A_1 = vector.load %arg1[%get3A, %get3A_0] : memref<16x2048xf32, #tpu.memory_space<vmem>>, vector<16x2048xf32>
    %get3A_2 = arith.constant 0 : index
    %get3A_3 = arith.constant 0 : index
    %get3A_4 = vector.load %arg2[%get3A_2, %get3A_3] : memref<512x2048xf32, #tpu.memory_space<vmem>>, vector<512x2048xf32>
    %dot_general3A = arith.constant dense<0.000000e+00> : vector<16x512xf32>
    %dot_general3A_5 = tpu.matmul %get3A_1, %get3A_4, %dot_general3A {dimension_numbers = #tpu.dot_dimension_numbers<[1], [1], [0], [0], [0, 0, 1, 0], [], []>, transpose_lhs_hint = false} : vector<16x2048xf32>, vector<512x2048xf32>, vector<16x512xf32> -> vector<16x512xf32>
    %get3A_6 = arith.constant 0 : index
    %get3A_7 = arith.constant 0 : index
    %get3A_8 = vector.load %arg1[%get3A_6, %get3A_7] : memref<16x2048xf32, #tpu.memory_space<vmem>>, vector<16x2048xf32>
    %get3A_9 = arith.constant 0 : index
    %get3A_10 = arith.constant 0 : index
    %get3A_11 = vector.load %arg3[%get3A_9, %get3A_10] : memref<512x2048xf32, #tpu.memory_space<vmem>>, vector<512x2048xf32>
    %dot_general3A_12 = arith.constant dense<0.000000e+00> : vector<16x512xf32>
    %dot_general3A_13 = tpu.matmul %get3A_8, %get3A_11, %dot_general3A_12 {dimension_numbers = #tpu.dot_dimension_numbers<[1], [1], [0], [0], [0, 0, 1, 0], [], []>, transpose_lhs_hint = false} : vector<16x2048xf32>, vector<512x2048xf32>, vector<16x512xf32> -> vector<16x512xf32>
    %concatenate3A = tpu.concatenate %dot_general3A_5, %dot_general3A_13 in 1 : vector<16x512xf32>, vector<16x512xf32> -> vector<16x1024xf32>
    %swap3A = arith.constant 0 : index
    %swap3A_14 = arith.constant 0 : index
    %swap3A_15 = vector.load %arg4[%swap3A, %swap3A_14] : memref<16x1024xf32, #tpu.memory_space<vmem>>, vector<16x1024xf32>
    tpu.vector_store %arg4[%swap3A, %swap3A_14], %concatenate3A {strides = array<i32>} : memref<16x1024xf32, #tpu.memory_space<vmem>>, vector<16x1024xf32>,
    %reduce_max3A = arith.constant dense<0xFF800000> : vector<1024xf32>
    %reduce_max3A_16 = vector.multi_reduction <maximumf>, %concatenate3A, %reduce_max3A [0] : vector<16x1024xf32> to vector<1024xf32>
    %broadcast_in_dim3A = vector.shape_cast %reduce_max3A_16 : vector<1024xf32> to vector<1x1024xf32>
    %sub3A = vector.broadcast %broadcast_in_dim3A : vector<1x1024xf32> to vector<16x1024xf32>
    %sub3A_17 = arith.subf %concatenate3A, %sub3A : vector<16x1024xf32>
    %exp3A = math.exp %sub3A_17 : vector<16x1024xf32>
    %reduce_sum3A = arith.constant dense<0.000000e+00> : vector<1024xf32>
    %reduce_sum3A_18 = vector.multi_reduction <add>, %exp3A, %reduce_sum3A [0] : vector<16x1024xf32> to vector<1024xf32>
    %broadcast_in_dim3A_19 = vector.shape_cast %reduce_sum3A_18 : vector<1024xf32> to vector<1x1024xf32>
    %log3A = math.log %broadcast_in_dim3A_19 : vector<1x1024xf32>
    %add3A = arith.addf %broadcast_in_dim3A, %log3A : vector<1x1024xf32>
    %mul3A = arith.mulf %exp3A, %concatenate3A : vector<16x1024xf32>
    %reduce_sum3A_20 = arith.constant dense<0.000000e+00> : vector<1024xf32>
    %reduce_sum3A_21 = vector.multi_reduction <add>, %mul3A, %reduce_sum3A_20 [0] : vector<16x1024xf32> to vector<1024xf32>
    %broadcast_in_dim3A_22 = vector.shape_cast %reduce_sum3A_21 : vector<1024xf32> to vector<1x1024xf32>
    %div3A = arith.divf %broadcast_in_dim3A_22, %broadcast_in_dim3A_19 : vector<1x1024xf32>
    %sub3A_23 = arith.subf %add3A, %div3A : vector<1x1024xf32>
    %reduce_sum3A_24 = vector.shape_cast %add3A : vector<1x1024xf32> to vector<1x1x1024xf32>
    %reduce_sum3A_25 = arith.constant dense<0.000000e+00> : vector<1xf32>
    %reduce_sum3A_26 = vector.multi_reduction <add>, %reduce_sum3A_24, %reduce_sum3A_25 [1, 2] : vector<1x1x1024xf32> to vector<1xf32>
    %reduce_sum3A_27 = vector.shape_cast %reduce_sum3A_26 : vector<1xf32> to vector<1x1x1xf32>
    %reduce_sum3A_28 = vector.extract %reduce_sum3A_27[0, 0, 0] : f32 from vector<1x1x1xf32>
    %broadcast_in_dim3A_29 = vector.broadcast %reduce_sum3A_28 : f32 to vector<1x1xf32>
    %reduce_sum3A_30 = vector.shape_cast %sub3A_23 : vector<1x1024xf32> to vector<1x1x1024xf32>
    %reduce_sum3A_31 = arith.constant dense<0.000000e+00> : vector<1xf32>
    %reduce_sum3A_32 = vector.multi_reduction <add>, %reduce_sum3A_30, %reduce_sum3A_31 [1, 2] : vector<1x1x1024xf32> to vector<1xf32>
    %reduce_sum3A_33 = vector.shape_cast %reduce_sum3A_32 : vector<1xf32> to vector<1x1x1xf32>
    %reduce_sum3A_34 = vector.extract %reduce_sum3A_33[0, 0, 0] : f32 from vector<1x1x1xf32>
    %broadcast_in_dim3A_35 = vector.broadcast %reduce_sum3A_34 : f32 to vector<1x1xf32>
    %eq3A = arith.constant 0 : i32
    %eq3A_36 = arith.cmpi eq, %arg0, %eq3A : i32
    %convert_element_type3A = arith.extui %eq3A_36 : i1 to i32
    %cond3A = arith.constant 0 : i32
    %cond3A_37 = arith.cmpi ne, %convert_element_type3A, %cond3A : i32
    scf.if %cond3A_37 {
      %swap3A_42 = arith.constant 0 : index
      %swap3A_43 = arith.constant 0 : index
      %swap3A_44 = vector.load %arg5[%swap3A_42, %swap3A_43] : memref<1x1xf32, #tpu.memory_space<vmem>>, vector<1x1xf32>
      tpu.vector_store %arg5[%swap3A_42, %swap3A_43], %broadcast_in_dim3A_29 {strides = array<i32>} : memref<1x1xf32, #tpu.memory_space<vmem>>, vector<1x1xf32>,
      %swap3A_45 = arith.constant 0 : index
      %swap3A_46 = arith.constant 0 : index
      %swap3A_47 = vector.load %arg6[%swap3A_45, %swap3A_46] : memref<1x1xf32, #tpu.memory_space<vmem>>, vector<1x1xf32>
      tpu.vector_store %arg6[%swap3A_45, %swap3A_46], %broadcast_in_dim3A_35 {strides = array<i32>} : memref<1x1xf32, #tpu.memory_space<vmem>>, vector<1x1xf32>,
    } else {
    }
    %ne3A = arith.constant 0 : i32
    %ne3A_38 = arith.cmpi ne, %arg0, %ne3A : i32
    %convert_element_type3A_39 = arith.extui %ne3A_38 : i1 to i32
    %cond3A_40 = arith.constant 0 : i32
    %cond3A_41 = arith.cmpi ne, %convert_element_type3A_39, %cond3A_40 : i32
    scf.if %cond3A_41 {
      %get3A_42 = arith.constant 0 : index
      %get3A_43 = arith.constant 0 : index
      %get3A_44 = vector.load %arg5[%get3A_42, %get3A_43] : memref<1x1xf32, #tpu.memory_space<vmem>>, vector<1x1xf32>
      %add3A_45 = arith.addf %get3A_44, %broadcast_in_dim3A_29 : vector<1x1xf32>
      %swap3A_46 = arith.constant 0 : index
      %swap3A_47 = arith.constant 0 : index
      %swap3A_48 = vector.load %arg5[%swap3A_46, %swap3A_47] : memref<1x1xf32, #tpu.memory_space<vmem>>, vector<1x1xf32>
      tpu.vector_store %arg5[%swap3A_46, %swap3A_47], %add3A_45 {strides = array<i32>} : memref<1x1xf32, #tpu.memory_space<vmem>>, vector<1x1xf32>,
      %get3A_49 = arith.constant 0 : index
      %get3A_50 = arith.constant 0 : index
      %get3A_51 = vector.load %arg6[%get3A_49, %get3A_50] : memref<1x1xf32, #tpu.memory_space<vmem>>, vector<1x1xf32>
      %add3A_52 = arith.addf %get3A_51, %broadcast_in_dim3A_35 : vector<1x1xf32>
      %swap3A_53 = arith.constant 0 : index
      %swap3A_54 = arith.constant 0 : index
      %swap3A_55 = vector.load %arg6[%swap3A_53, %swap3A_54] : memref<1x1xf32, #tpu.memory_space<vmem>>, vector<1x1xf32>
      tpu.vector_store %arg6[%swap3A_53, %swap3A_54], %add3A_52 {strides = array<i32>} : memref<1x1xf32, #tpu.memory_space<vmem>>, vector<1x1xf32>,
    } else {
    }
    return
  }
  func.func @transform_0(%arg0: i32) -> (i32, i32) {
    %c0_i32 = arith.constant 0 : i32
    %c0_i32_0 = arith.constant 0 : i32
    %c0_i32_1 = arith.constant 0 : i32
    return %c0_i32, %c0_i32_0 : i32, i32
  }
  func.func @transform_1(%arg0: i32) -> (i32, i32) {
    %add3A = arith.constant 0 : i32
    %add3A_0 = arith.addi %add3A, %arg0 : i32
    %mul3A = arith.constant 2 : i32
    %mul3A_1 = arith.muli %mul3A, %add3A_0 : i32
    %c0_i32 = arith.constant 0 : i32
    %c0_i32_2 = arith.constant 0 : i32
    return %mul3A_1, %c0_i32 : i32, i32
  }
  func.func @transform_2(%arg0: i32) -> (i32, i32) {
    %add3A = arith.constant 0 : i32
    %add3A_0 = arith.addi %add3A, %arg0 : i32
    %mul3A = arith.constant 2 : i32
    %mul3A_1 = arith.muli %mul3A, %add3A_0 : i32
    %add3A_2 = arith.constant 1 : i32
    %add3A_3 = arith.addi %mul3A_1, %add3A_2 : i32
    %c0_i32 = arith.constant 0 : i32
    %c0_i32_4 = arith.constant 0 : i32
    return %add3A_3, %c0_i32 : i32, i32
  }
  func.func @transform_3(%arg0: i32) -> (i32, i32) {
    %c0_i32 = arith.constant 0 : i32
    %c0_i32_0 = arith.constant 0 : i32
    return %c0_i32, %arg0 : i32, i32
  }
  func.func @transform_4(%arg0: i32) -> (i32, i32) {
    %c0_i32 = arith.constant 0 : i32
    %c0_i32_0 = arith.constant 0 : i32
    %c0_i32_1 = arith.constant 0 : i32
    return %c0_i32, %c0_i32_0 : i32, i32
  }
  func.func @transform_5(%arg0: i32) -> (i32, i32) {
    %c0_i32 = arith.constant 0 : i32
    %c0_i32_0 = arith.constant 0 : i32
    %c0_i32_1 = arith.constant 0 : i32
    return %c0_i32, %c0_i32_0 : i32, i32
  }
}

</mosaic_0001>

<sc_bundles>
// kernel: _router.4.cloned.1.call-start
scs
__scs_entry_jumppad:
0x0: {  	(pc) =	sbr.rel $0x88, $3  }
0x1: {  	(tag) =	ssettag $0x0;
	lr =	simm.s32 $0x1  }
0x2: {  	[smem:$0x3F9F] =	sst lr;
	_ =	strace $0xD0000000  }
0x3: {  	_ = 	snop  }
0x4: {  	_ = 	snop  }
0x5: {  	_ = 	snop  }
0x6: {  	_ = 	snop  }
0x7: {  	_ = 	snop  }
__scs_overlays_trampoline_lowered:
0x8: {  	[smem:$0x3FAE] =	sst s0  }
0x9: {  	[smem:$0x3FAF] =	sst s1  }
0xa: {  	[smem:$0x3FB0] =	sst s2  }
0xb: {  	[smem:$0x3FB1] =	sst s3  }
0xc: {  	[smem:$0x3FB2] =	sst s4  }
0xd: {  	[smem:$0x3FB3] =	sst s5  }
0xe: {  	[smem:$0x3FB4] =	sst s6  }
0xf: {  	[smem:$0x3FB5] =	sst s7  }
0x10: {  	[smem:$0x3FB6] =	sst s8  }
0x11: {  	[smem:$0x3FB7] =	sst s9;
	s0 =	simm.s32 @!p0 $0x0  }
0x12: {  	s1 =	sld [smem:$0x3F9D];
	s0 =	simm.s32 @p0 $0x1  }
0x13: {  	[smem:$0x3FB8] =	sst s0;
	s0 =	simm.s32 @!p1 $0x0  }
0x14: {  	s2 =	sld [smem:$0x3F9C];
	s0 =	simm.s32 @p1 $0x1  }
0x15: {  	[smem:$0x3FB9] =	sst s0;
	s0 =	simm.s32 @!p2 $0x0  }
0x16: {  	s3 =	sld [smem:$0x3FDB];
	s0 =	simm.s32 @p2 $0x1  }
0x17: {  	s4 =	simm.s32 $0x1BF5;
	[smem:$0x3FBB] =	sst s0  }
0x18: {  	s0 =	sld [smem:$0x3F9E];
	_ =	swait.ge [sflag:s4], $0x0  }
0x19: {  	s7 =	sld [smem:$0x3F9F]  }
0x1a: {  	s8 =	sadd.s32 $0xFFFFE003, lr  }
0x1b: {  	s9 =	sadd.s32 $0xFFFFFEF7, lr;
	s5 =	simm.s32 $0xFFFFFFFF;
	p2 =	slt.u32 s8, $0xFFFFF086  }
0x1c: {  	p1 =	slt.u32 s9, $0xF7A;
	s5 =	simm.s32 @!p2 $0x0  }
0x1d: {  	s5 =	simm.s32 @p1 $0x1;
	p0 =	seq.s32 s7, s2  }
0x1e: {  	s7 =	smul.u32 @!p0 $0xF7A, s2;
	p2 =	seq.s32 @!p0 s5, $0x0  }
0x1f: {  	s9 =	smul.u32 $0xF7A, s1;
	s8 =	simm.s32 @!p0 $0x1BF5;
	p2 =	por !p2, p0  }
0x20: {  	[sflag:s8] =	ssyncset.s32 @!p0 $0xFFFFF086;
	s6 =	sadd.s32 @!p0 s3, s7;
	s7 =	simm.s32 @!p0 $0x108  }
0x21: {  	s3 =	sadd.s32 s3, s9;
	s6 =	sadd.s32 @!p0 $0x88, s6;
	s7 =	simm.s32 @p2 $0x1082  }
0x22: {  	[simem:s7], [sflag:s8] =	dma.local @!p0 [hbm:s6], $0xF7A  }
0x23: {  	s9 =	sor.u32 $0xD0000000, s2;
	s6 =	simm.s32 $0x108;
	_ =	swait.ge @!p0 [sflag:s8], $0x0  }
0x24: {  	s3 =	sadd.s32 $0x88, s3;
	s6 =	simm.s32 @!p1 $0x1082;
	[sflag:s4] =	ssyncset.s32 $0xFFFFF086  }
0x25: {  	[simem:s6], [sflag:s4] =	dma.local [hbm:s3], $0xF7A  }
0x26: {  	[smem:$0x3F9F] =	sst s1;
	(tag) =	ssettag s2;
	_ =	strace s9  }
0x27: {  	s1 =	sld [smem:$0x3FAF]  }
0x28: {  	s2 =	sld [smem:$0x3FB0]  }
0x29: {  	s4 =	sld [smem:$0x3FB2]  }
0x2a: {  	p0 =	seq.s32 s5, $0x0;
	s5 =	sld [smem:$0x3FB3]  }
0x2b: {  	s6 =	sld [smem:$0x3FB4]  }
0x2c: {  	s7 =	sld [smem:$0x3FB5]  }
0x2d: {  	s3 =	simm.s32 $0x108;
	s8 =	sld [smem:$0x3FB6]  }
0x2e: {  	s3 =	simm.s32 @!p0 $0x1082;
	s9 =	sld [smem:$0x3FB7]  }
0x2f: {  	lr =	sadd.s32 s0, s3;
	s0 =	sld [smem:$0x3FAE]  }
0x30: {  	s3 =	sld [smem:$0x3FB1]  }
0x31: {  	[smem:$0x3FBA] =	sst s10  }
0x32: {  	s10 =	sld [smem:$0x3FB8];
	_ =	sdelay $0x3  }
0x33: {  	p0 =	seq.s32 s10, $0x1;
	s10 =	sld [smem:$0x3FBA];
	_ =	sdelay $0x3  }
0x34: {  	[smem:$0x3FBA] =	sst s10  }
0x35: {  	s10 =	sld [smem:$0x3FB9];
	_ =	sdelay $0x3  }
0x36: {  	p1 =	seq.s32 s10, $0x1;
	s10 =	sld [smem:$0x3FBA];
	_ =	sdelay $0x3  }
0x37: {  	[smem:$0x3FBA] =	sst s10  }
0x38: {  	s10 =	sld [smem:$0x3FBB]  }
0x39: {  	_ = 	snop;
	(pc) =	sbr.ind lr, $3  }
0x3a: {  	_ = 	snop  }
0x3b: {  	_ = 	snop  }
0x3c: {  	p2 =	seq.s32 s10, $0x1;
	s10 =	sld [smem:$0x3FBA]  }
0x3d: {  	_ =	shalt  }
0x3e: {  	_ =	shalt  }
0x3f: {  	_ =	shalt  }
0x40: {  	_ =	shalt  }
0x41: {  	_ =	shalt  }
0x42: {  	_ =	shalt  }
0x43: {  	_ =	shalt  }
0x44: {  	_ =	shalt  }
0x45: {  	_ =	shalt  }
0x46: {  	_ =	shalt  }
0x47: {  	_ =	shalt  }
0x48: {  	_ =	shalt  }
0x49: {  	_ =	shalt  }
0x4a: {  	_ =	shalt  }
0x4b: {  	_ =	shalt  }
0x4c: {  	_ =	shalt  }
0x4d: {  	_ =	shalt  }
0x4e: {  	_ =	shalt  }
0x4f: {  	_ =	shalt  }
0x50: {  	_ =	shalt  }
0x51: {  	_ =	shalt  }
0x52: {  	_ =	shalt  }
0x53: {  	_ =	shalt  }
0x54: {  	_ =	shalt  }
0x55: {  	_ =	shalt  }
0x56: {  	_ =	shalt  }
0x57: {  	_ =	shalt  }
0x58: {  	_ =	shalt  }
0x59: {  	_ =	shalt  }
0x5a: {  	_ =	shalt  }
0x5b: {  	_ =	shalt  }
0x5c: {  	_ =	shalt  }
0x5d: {  	_ =	shalt  }
0x5e: {  	_ =	shalt  }
0x5f: {  	_ =	shalt  }
0x60: {  	_ =	shalt  }
0x61: {  	_ =	shalt  }
0x62: {  	_ =	shalt  }
0x63: {  	_ =	shalt  }
0x64: {  	_ =	shalt  }
0x65: {  	_ =	shalt  }
0x66: {  	_ =	shalt  }
0x67: {  	_ =	shalt  }
0x68: {  	_ =	shalt  }
0x69: {  	_ =	shalt  }
0x6a: {  	_ =	shalt  }
0x6b: {  	_ =	shalt  }
0x6c: {  	_ =	shalt  }
0x6d: {  	_ =	shalt  }
0x6e: {  	_ =	shalt  }
0x6f: {  	_ =	shalt  }
0x70: {  	_ =	shalt  }
0x71: {  	_ =	shalt  }
0x72: {  	_ =	shalt  }
0x73: {  	_ =	shalt  }
0x74: {  	_ =	shalt  }
0x75: {  	_ =	shalt  }
0x76: {  	_ =	shalt  }
0x77: {  	_ =	shalt  }
0x78: {  	_ =	shalt  }
0x79: {  	_ =	shalt  }
0x7a: {  	_ =	shalt  }
0x7b: {  	_ =	shalt  }
0x7c: {  	_ =	shalt  }
0x7d: {  	_ =	shalt  }
0x7e: {  	_ =	shalt  }
0x7f: {  	_ =	shalt  }
0x80: {  	_ =	shalt  }
0x81: {  	_ =	shalt  }
0x82: {  	_ =	shalt  }
0x83: {  	_ =	shalt  }
0x84: {  	_ =	shalt  }
0x85: {  	_ =	shalt  }
0x86: {  	_ =	shalt  }
0x87: {  	_ =	shalt  }
.Lfunc_end0:
.L_simem_size_0:
called_computation_lowered:
.L_overlay_start_0:
0x88: {  	s2 =	sld [smem:$0x3FD9]  }
0x89: {  	s3 =	sld [smem:$0x3FFE];
	_ =	sdelay $0x1  }
0x8a: {  	s1 =	srdreg.scid  }
0x8b: {  	s0 =	sand.u32 $0x1, s1  }
0x8c: {  	s14 =	sshll.u32 s0, $0xA;
	s2 =	sadd.s32 s3, s2  }
0x8d: {  	s2 =	sadd.s32 s2, s14  }
0x8e: {  	[smem:$0x3FC6] =	sst s2  }
0x8f: {  	_ = 	snop  }
0x90: {  	s2 =	sld [smem:$0x3FD0];
	_ =	sdelay $0x2  }
0x91: {  	s15 =	simm.s32 $0xA;
	s4 =	simm.s32 $0x10  }
0x92: {  	[smem:s4], [sflag:s15] =	dma.local [hbm:s2], $0x1  }
0x93: {  	_ =	swait.eq [sflag:s15], $0x1  }
0x94: {  	[sflag:s15] =	ssyncset.done $0x0  }
0x95: {  	s16 =	sld [smem:$0x10];
	[sflag:s15] =	ssyncadd.s32 $0xFFFFFFFF  }
0x96: {  	s17 =	sld [smem:$0x11];
	(tm) =	ssettm $0x1  }
0x97: {  	s18 =	sld [smem:$0x3FFB];
	_ =	sdelay $0x3  }
0x98: {  	_ =	strace s18  }
0x99: {  	s4 =	sld [smem:$0x3FFC];
	_ =	sdelay $0x3  }
0x9a: {  	_ =	strace s4  }
0x9b: {  	s4 =	sld [smem:$0x3FFD];
	_ =	sdelay $0x3  }
0x9c: {  	_ =	strace s4  }
0x9d: {  	_ =	strace $0x8FFFFFFF  }
0x9e: {  	s19 =	sld [smem:$0x3FDB];
	_ =	sdelay $0x1  }
0x9f: {  	s5 =	simm.s32 $_scs_section_size  }
0xa0: {  	s6 =	simm.s32 $_size__tile_overlayer_lowered;
	s7 =	simm.s32 $_tile_overlayer_lowered  }
0xa1: {  	s22 =	simm.s32 $0x1BFF;
	s21 =	sshll.u32 s7, $0x1;
	s4 =	sadd.s32 s5, s19  }
0xa2: {  	s8 =	simm.s32 $0x0;
	s20 =	sshll.u32 s6, $0x1;
	s6 =	sadd.s32 s21, s4  }
0xa3: {  	[timem:s8], [sflag:s22] =	dma.local [hbm:s6], s20  }
0xa4: {  	_ =	swait.ge [sflag:s22], s20  }
0xa5: {  	s5 =	ssub.s32 $0x0, s20;
	[sflag:s22] =	ssyncset.done $0x0  }
0xa6: {  	[sflag:s22] =	ssyncadd.s32 s5;
	_ =	sdelay $0x1  }
0xa7: {  	s23 =	simm.s32 $0x1B8B  }
0xa8: {  	_ =	swait.ge [sflag:s23], $0x1  }
0xa9: {  	[sflag:s23] =	ssyncset.done $0x0  }
0xaa: {  	s25 =	simm.s32 $0x1B8E;
	s24 =	sld [smem:$0x3FFE];
	[sflag:s23] =	ssyncadd.s32 $0xFFFFFFFF  }
0xab: {  	s26 =	simm.s32 $execute0_lowered;
	[smem:$0x3FD2] =	sst s25  }
0xac: {  	s6 =	sshll.u32 s26, $0x1;
	_ =	strace $0x80000046;
	[dreg:$0x1] =	wrdreg $0xFFFFFFFF  }
0xad: {  	s28 =	simm.s32 $_size_execute0_lowered;
	s4 =	sadd.s32 s4, s6;
	[dreg:$0x0] =	wrdreg $0x0  }
0xae: {  	s6 =	sshll.u32 s28, $0x1;
	[dreg:$0x2] =	wrdreg s4  }
0xaf: {  	[dreg:$0x3] =	wrdreg s6  }
0xb0: {  	[dreg:$0x4] =	wrdreg $0xC0  }
0xb1: {  	_ =	task [dreg:s8], $0x5FFFF  }
0xb2: {  	[dreg:$0x1] =	wrdreg $0xFFFFFFFF  }
0xb3: {  	[dreg:$0x0] =	wrdreg $0x60  }
0xb4: {  	[dreg:$0x2] =	wrdreg s24  }
0xb5: {  	[dreg:$0x3] =	wrdreg s16  }
0xb6: {  	[dreg:$0x4] =	wrdreg s17  }
0xb7: {  	[dreg:$0x5] =	wrdreg $0x9  }
0xb8: {  	_ =	task.clear_ibuf [dreg:s8], $0x6FFFF;
	_ =	strace $0x90000046  }
0xb9: {  	s29 =	simm.s32 $0x9;
	_ =	strace $0x80000048  }
0xba: {  	_ =	swait.ge [sflag:s29], $0x1  }
0xbb: {  	[sflag:s29] =	ssyncadd.s32 $0xFFFFFFFF  }
0xbc: {  	_ =	strace $0x90000048  }
0xbd: {  	_ =	sfence  }
0xbe: {  	s30 =	sld [smem:$0x0];
	_ =	sdelay $0x2  }
0xbf: {  	s31 =	sshll.u32 s1, $0xD;
	s1 =	sshrl.u32 s1, $0x2  }
0xc0: {  	s3 =	sand.u32 $0x4000, s31;
	s1 =	sadd.s32 s1, s30  }
0xc1: {  	s0 =	sor.u32 s3, s0;
	s1 =	sshll.u32 s1, $0x11  }
0xc2: {  	s0 =	sor.u32 s1, s0  }
0xc3: {  	s0 =	sadd.s32 $0x8F2B, s0  }
0xc4: {  	[sflag:s0] =	ssyncadd.remote.s32 $0x1  }
0xc5: {  	_ =	sfence.sel $0xFFFF  }
0xc6: {  	[dreg:$0x0] =	wrdreg $0xFFFFFFFF;
	(pc) =	sbr.abs _section_cstart, $3  }
0xc7: {  	[dreg:$0x1] =	wrdreg $0xFFFFFFFF  }
0xc8: {  	_ =	task.clear_ibuf [dreg:s8], $0x2FFFF;
	_ =	strace $0x9FFFFFFF  }
0xc9: {  	(tm) =	ssettm $0x7FFFFFFF  }
tec
execute0_lowered:
.L_overlay_start_1:
0x0: {  	(tag) =	ssettag $0x1  }
0x1: {  	s3 =	rddreg [dreg:$0x0]  }
0x2: {  	s5 =	rddreg [dreg:$0x1];
	s1 =	srdreg.scid  }
0x3: {  	s0 =	stileid.u32;
	s7 =	rddreg [dreg:$0x2];
	s2 =	simm.s32 $0x0  }
0x4: {  	s12 =	simm.s32 $0x1;
	s13 =	simm.s32 $0x80;
	s14 =	simm.s32 $0x100  }
0x5: {  	s15 =	simm.s32 $0x2000;
	s16 =	simm.s32 $0x2200;
	s17 =	simm.s32 $0x2400  }
0x6: {  	s18 =	simm.s32 $0x2600;
	s19 =	simm.s32 $0x2800;
	s20 =	simm.s32 $0x0  }
0x7: {  	s4 =	sand.u32 $0x1, s1;
	s6 =	sshll.u32 s0, $0x1;
	[smem:$0x7FF] =	sst s2  }
0x8: {  	s1 =	rddreg [dreg:$0x3];
	s6 =	sor.u32 s4, s6;
	_ =	strace $0x80000047  }
0x9: {  	s4 =	ssub.s32 $0x2, s4;
	s8 =	sshll.u32 s6, $0x9;
	s9 =	sshll.u32 s6, $0x8  }
0xa: {  	s10 =	sshrl.u32 s4, $0x1;
	s6 =	sshll.u32 s6, $0x7;
	s8 =	sadd.s32 s8, s3  }
0xb: {  	s9 =	sadd.s32 s9, s3;
	s10 =	ssub.s32 s4, s10;
	s11 =	sor.u32 $0x10, s6  }
0xc: {  	s4 =	sadd.s32 s5, s6;
	s6 =	sadd.s32 s7, s6;
	s3 =	sadd.s32 $0xE00, s8  }
0xd: {  	s5 =	sadd.s32 s5, s11;
	s7 =	sadd.s32 s7, s11;
	s8 =	sadd.s32 $0x8E00, s9  }
0xe: {  	v0 =	vimm.f32 $0.0e+00;
	v1 =	vimm.s32 $0x10;
	s9 =	smax.u32 s10, $0x1;
	s10 =	simm.s32 $0x1000;
	s11 =	simm.s32 $0x20000  }
.LBB2_1:
0xf: {  	[tilespmem:s2], [sflag:$0x1] =	stream.strided.gather [hbm4b:s3+s10], $0x2000, s11, s10, $0x38;
	[tilespmem:$0x3000] =	vst v63  }
0x10: {  	_ =	swait.ge [sflag:s12], $0x2000  }
0x11: {  	[sflag:s12] =	ssyncset.done $0x0  }
0x12: {  	[sflag:s12] =	ssyncadd.s32 $0xFFFFE000  }
0x13: {  	[tilespmem:$0x2800] =	vst v0  }
0x14: {  	[tilespmem:$0x2880] =	vst v0  }
0x15: {  	[tilespmem:$0x2900] =	vst v0  }
0x16: {  	[tilespmem:$0x2980] =	vst v0  }
0x17: {  	[tilespmem:$0x2A00] =	vst v0  }
0x18: {  	[tilespmem:$0x2A80] =	vst v0  }
0x19: {  	[tilespmem:$0x2B00] =	vst v0  }
0x1a: {  	[tilespmem:$0x2B80] =	vst v0  }
0x1b: {  	[tilespmem:$0x2C00] =	vst v0  }
0x1c: {  	[tilespmem:$0x2C80] =	vst v0  }
0x1d: {  	[tilespmem:$0x2D00] =	vst v0  }
0x1e: {  	[tilespmem:$0x2D80] =	vst v0  }
0x1f: {  	[tilespmem:$0x2E00] =	vst v0  }
0x20: {  	[tilespmem:$0x2E80] =	vst v0  }
0x21: {  	s21 =	simm.s32 $0x2600;
	s22 =	simm.s32 $0x2400;
	s23 =	simm.s32 $0x2200;
	[tilespmem:$0x2F00] =	vst v0  }
0x22: {  	s24 =	simm.s32 $0x2000;
	s25 =	simm.s32 $0x0;
	s26 =	simm.s32 $0x0;
	[tilespmem:$0x2F80] =	vst v0  }
.LBB2_2:
0x23: {  	s28 =	sand.u32 $0x70, s26;
	s29 =	sand.u32 $0xC00, s25  }
0x24: {  	s28 =	sor.u32 s28, s29  }
0x25: {  	v10 =	vld [tilespmem:s28+$0x0]  }
0x26: {  	v11 =	vld [tilespmem:s28+$0x80]  }
0x27: {  	v14 =	vld [tilespmem:s28+$0x100]  }
0x28: {  	v15 =	vld [tilespmem:s28+$0x180]  }
0x29: {  	v16 =	vld [tilespmem:s28+$0x200]  }
0x2a: {  	v17 =	vld [tilespmem:s28+$0x280]  }
0x2b: {  	v18 =	vld [tilespmem:s28+$0x300];
	v2 =	vmax.f32 v10, v11  }
0x2c: {  	v19 =	vld [tilespmem:s28+$0x380];
	v2 =	vmax.f32 v2, v14  }
0x2d: {  	v12 =	vld [tilespmem:s28+$0x1000];
	v2 =	vmax.f32 v2, v15  }
0x2e: {  	v13 =	vld [tilespmem:s28+$0x1080];
	v2 =	vmax.f32 v2, v16  }
0x2f: {  	v8 =	vld [tilespmem:s28+$0x1100];
	v2 =	vmax.f32 v2, v17  }
0x30: {  	v9 =	vld [tilespmem:s28+$0x1180];
	v2 =	vmax.f32 v2, v18  }
0x31: {  	v7 =	vld [tilespmem:s28+$0x1200];
	v2 =	vmax.f32 v2, v19  }
0x32: {  	v5 =	vld [tilespmem:s28+$0x1280];
	v2 =	vmax.f32 v2, v12  }
0x33: {  	v6 =	vld [tilespmem:s28+$0x1300];
	v2 =	vmax.f32 v2, v13  }
0x34: {  	v3 =	vld [tilespmem:s28+$0x1380];
	v2 =	vmax.f32 v2, v8  }
0x35: {  	v2 =	vmax.f32 v2, v9  }
0x36: {  	v2 =	vmax.f32 v2, v7  }
0x37: {  	v2 =	vmax.f32 v2, v5  }
0x38: {  	v2 =	vmax.f32 v2, v6  }
0x39: {  	v4 =	vmax.f32 v2, v3  }
0x3a: {  	v22 =	vimm.s32 $0x0;
	vm0 =	veq.f32 v3, v4  }
0x3b: {  	vm13 =	veq.f32 v6, v4;
	vm14 =	veq.f32 v5, v4;
	vm15 =	veq.f32 v7, v4  }
0x3c: {  	vm4 =	veq.f32 v9, v4;
	vm5 =	veq.f32 v8, v4;
	vm6 =	veq.f32 v13, v4  }
0x3d: {  	vm7 =	veq.f32 v12, v4;
	vm8 =	veq.f32 v19, v4;
	vm9 =	veq.f32 v18, v4  }
0x3e: {  	vm10 =	veq.f32 v17, v4;
	v20 =	vsub.f32 v10, v4;
	v2 =	vsel vm0, $0xF, v1  }
0x3f: {  	vm11 =	veq.f32 v16, v4;
	v21 =	vsub.f32 v11, v4;
	v2 =	vsel vm13, $0xE, v2  }
0x40: {  	vm12 =	veq.f32 v15, v4;
	v34 =	vsub.f32 v14, v4;
	v2 =	vsel vm14, $0xD, v2  }
0x41: {  	v35 =	vsub.f32 v15, v4;
	v37 =	vsub.f32 v16, v4;
	v2 =	vsel vm15, $0xC, v2  }
0x42: {  	v39 =	vsub.f32 v17, v4;
	v20 =	vmul.f32 $1.442695020e+00, v20;
	v2 =	vsel vm4, $0xB, v2  }
0x43: {  	v41 =	vsub.f32 v18, v4;
	v44 =	vsub.f32 v19, v4;
	v2 =	vsel vm5, $0xA, v2  }
0x44: {  	v21 =	vmul.f32 $1.442695020e+00, v21;
	(erf) = vpow2.f32 v20;
	v2 =	vsel vm6, $0x9, v2  }
0x45: {  	v46 =	vsub.f32 v12, v4;
	v50 =	vsub.f32 v13, v4;
	v2 =	vsel vm7, $0x8, v2  }
0x46: {  	v20 =	vmul.f32 $1.442695020e+00, v34;
	(erf) = vpow2.f32 v21;
	v2 =	vsel vm8, $0x7, v2  }
0x47: {  	v53 =	vsub.f32 v8, v4;
	v56 =	vsub.f32 v9, v4;
	v2 =	vsel vm9, $0x6, v2  }
0x48: {  	v36 =	vmul.f32 $1.442695020e+00, v35;
	(erf) = vpow2.f32 v20;
	v2 =	vsel vm10, $0x5, v2  }
0x49: {  	v59 =	vsub.f32 v7, v4;
	vm13 =	veq.f32 v14, v4;
	v2 =	vsel vm11, $0x4, v2  }
0x4a: {  	v38 =	vmul.f32 $1.442695020e+00, v37;
	(erf) = vpow2.f32 v36;
	v2 =	vsel vm12, $0x3, v2  }
0x4b: {  	v40 =	vmul.f32 $1.442695020e+00, v39;
	vm14 =	veq.f32 v11, v4;
	v2 =	vsel vm13, $0x2, v2  }
0x4c: {  	vm15 =	veq.f32 v10, v4;
	(erf) = vpow2.f32 v38;
	v2 =	vsel vm14, $0x1, v2  }
0x4d: {  	v43 =	vmul.f32 $1.442695020e+00, v41;
	v42 =	vpop (erf);
	(erf) = vpow2.f32 v40;
	v2 =	vsel vm15, $0x0, v2  }
0x4e: {  	v62 =	vsub.f32 v5, v4;
	v29 =	vsub.f32 v6, v4;
	vm0 =	veq.s32 v2, $0x1  }
0x4f: {  	v45 =	vmul.f32 $1.442695020e+00, v44;
	v23 =	vpop (erf);
	(erf) = vpow2.f32 v43;
	v22 =	vsel vm0, $0xFFFFFFFF, v22  }
0x50: {  	v48 =	vmul.f32 $1.442695020e+00, v46;
	v52 =	vmul.f32 $1.442695020e+00, v50;
	[tilespmem:$0x1FFF0] =	vst v22;
	v22 =	vadd.f32 v23, v42  }
0x51: {  	v31 =	vsub.f32 v3, v4;
	v55 =	vmul.f32 $1.442695020e+00, v53;
	v47 =	vpop (erf);
	(erf) = vpow2.f32 v45  }
0x52: {  	v58 =	vmul.f32 $1.442695020e+00, v56;
	v61 =	vmul.f32 $1.442695020e+00, v59;
	v22 =	vadd.f32 v22, v47  }
0x53: {  	v28 =	vmul.f32 $1.442695020e+00, v62;
	v49 =	vpop (erf);
	(erf) = vpow2.f32 v48  }
0x54: {  	v30 =	vmul.f32 $1.442695020e+00, v29;
	v34 =	vmul.f32 $1.442695020e+00, v31;
	v21 =	vadd.f32 v22, v49  }
0x55: {  	vm1 =	veq.s32 v2, $0x0;
	vm4 =	veq.s32 v2, $0x2;
	vm6 =	veq.s32 v2, $0x3;
	v51 =	vpop (erf)  }
0x56: {  	vm3 =	veq.s32 v2, $0x4;
	v54 =	vpop (erf);
	(erf) = vpow2.f32 v52;
	v20 =	vadd.f32 v21, v51  }
0x57: {  	vm8 =	veq.s32 v2, $0x5;
	vm7 =	veq.s32 v2, $0x6;
	vm10 =	veq.s32 v2, $0x7  }
0x58: {  	vm13 =	veq.s32 v2, $0x8;
	v57 =	vpop (erf);
	(erf) = vpow2.f32 v55;
	v20 =	vadd.f32 v20, v54  }
0x59: {  	vm14 =	veq.s32 v2, $0x9;
	vm15 =	veq.s32 v2, $0xA;
	vm11 =	veq.s32 v2, $0xB  }
0x5a: {  	vm12 =	veq.s32 v2, $0xC;
	v60 =	vpop (erf);
	(erf) = vpow2.f32 v58;
	v20 =	vadd.f32 v20, v57  }
0x5b: {  	v10 =	vsel vm1, $0xFF61B1E6, v10;
	v11 =	vsel vm0, $0xFF61B1E6, v11;
	v14 =	vsel vm4, $0xFF61B1E6, v14  }
0x5c: {  	v24 =	vmax.f32 v10, v11;
	v63 =	vpop (erf);
	(erf) = vpow2.f32 v61;
	v20 =	vadd.f32 v20, v60  }
0x5d: {  	v15 =	vsel vm6, $0xFF61B1E6, v15;
	v16 =	vsel vm3, $0xFF61B1E6, v16;
	v24 =	vmax.f32 v24, v14  }
0x5e: {  	v24 =	vmax.f32 v24, v15;
	(erf) = vpow2.f32 v28;
	v20 =	vadd.f32 v20, v63  }
0x5f: {  	v17 =	vsel vm8, $0xFF61B1E6, v17;
	v18 =	vsel vm7, $0xFF61B1E6, v18;
	v24 =	vmax.f32 v24, v16;
	v33 =	vpop (erf)  }
0x60: {  	v32 =	vmax.f32 v24, v17;
	(erf) = vpow2.f32 v30;
	v20 =	vadd.f32 v20, v33  }
0x61: {  	v19 =	vsel vm10, $0xFF61B1E6, v19;
	v12 =	vsel vm13, $0xFF61B1E6, v12;
	v35 =	vmax.f32 v32, v18;
	v36 =	vpop (erf)  }
0x62: {  	v22 =	vmax.f32 v35, v19;
	(erf) = vpow2.f32 v34;
	v20 =	vadd.f32 v20, v36  }
0x63: {  	vm9 =	veq.s32 v2, $0xD;
	v13 =	vsel vm14, $0xFF61B1E6, v13;
	v22 =	vmax.f32 v22, v12;
	v37 =	vpop (erf)  }
0x64: {  	v8 =	vsel vm15, $0xFF61B1E6, v8;
	v22 =	vmax.f32 v22, v13;
	v20 =	vadd.f32 v20, v37  }
0x65: {  	vm5 =	veq.s32 v2, $0xE;
	v9 =	vsel vm11, $0xFF61B1E6, v9;
	v22 =	vmax.f32 v22, v8;
	v38 =	vpop (erf)  }
0x66: {  	v7 =	vsel vm12, $0xFF61B1E6, v7;
	v22 =	vmax.f32 v22, v9;
	v20 =	vadd.f32 v20, v38  }
0x67: {  	vm2 =	veq.s32 v2, $0xF;
	v5 =	vsel vm9, $0xFF61B1E6, v5;
	v22 =	vmax.f32 v22, v7;
	v39 =	vpop (erf)  }
0x68: {  	v6 =	vsel vm5, $0xFF61B1E6, v6;
	v22 =	vmax.f32 v22, v5;
	v20 =	vadd.f32 v20, v39  }
0x69: {  	v3 =	vsel vm2, $0xFF61B1E6, v3;
	v40 =	vmax.f32 v22, v6;
	v41 =	vpop (erf)  }
0x6a: {  	v21 =	vmax.f32 v40, v3;
	v20 =	vadd.f32 v20, v41  }
0x6b: {  	v4 =	vsub.f32 v21, v4;
	v42 =	vpop (erf)  }
0x6c: {  	v20 =	vadd.f32 v20, v42  }
0x6d: {  	v4 =	vmul.f32 $1.442695020e+00, v4  }
0x6e: {  	(erf) = vrcp.f32 v20  }
0x6f: {  	(erf) = vpow2.f32 v4;
	_ =	sdelay $0x7  }
0x70: {  	v43 =	vpop (erf)  }
0x71: {  	vm0 =	veq.f32 v3, v21;
	v44 =	vpop (erf)  }
0x72: {  	v3 =	vsel vm0, $0xF, v1;
	vm0 =	veq.f32 v6, v21;
	v20 =	vmul.f32 v44, v43  }
0x73: {  	[tilespmem:s24+$0x0] =	vst v2;
	v2 =	vsel vm1, $0x3F800000, v0;
	v3 =	vsel vm0, $0xE, v3;
	vm0 =	veq.f32 v5, v21  }
0x74: {  	v3 =	vsel vm0, $0xD, v3;
	vm0 =	veq.f32 v7, v21;
	v45 =	vadd.f32 v20, v43  }
0x75: {  	v27 =	vsel vm13, $0x3F800000, v0;
	v3 =	vsel vm0, $0xC, v3;
	vm0 =	veq.f32 v9, v21  }
0x76: {  	v47 =	vld [tilespmem:$0x1FFF0];
	v3 =	vsel vm0, $0xB, v3;
	vm0 =	veq.f32 v8, v21;
	v5 =	vadd.f32 $9.999999930e-09, v45  }
0x77: {  	v31 =	vsel vm14, $0x3F800000, v0;
	v3 =	vsel vm0, $0xA, v3;
	vm0 =	veq.f32 v13, v21  }
0x78: {  	v3 =	vsel vm0, $0x9, v3;
	vm0 =	veq.f32 v12, v21;
	(erf) = vrcp.f32 v5  }
0x79: {  	v49 =	vsel vm4, $0x3F800000, v0;
	v3 =	vsel vm0, $0x8, v3;
	vm0 =	veq.f32 v19, v21  }
0x7a: {  	v51 =	vsel vm6, $0x3F800000, v0;
	v3 =	vsel vm0, $0x7, v3;
	vm0 =	veq.f32 v18, v21  }
0x7b: {  	vm1 =	vnez.u8 v47;
	v3 =	vsel vm0, $0x6, v3;
	vm0 =	veq.f32 v17, v21  }
0x7c: {  	v47 =	vsel vm12, $0x3F800000, v0;
	v3 =	vsel vm0, $0x5, v3;
	vm0 =	veq.f32 v16, v21  }
0x7d: {  	v54 =	vsel vm3, $0x3F800000, v0;
	v3 =	vsel vm0, $0x4, v3;
	vm0 =	veq.f32 v15, v21  }
0x7e: {  	v57 =	vsel vm8, $0x3F800000, v0;
	v3 =	vsel vm0, $0x3, v3;
	vm0 =	veq.f32 v14, v21  }
0x7f: {  	v60 =	vsel vm7, $0x3F800000, v0;
	v3 =	vsel vm0, $0x2, v3;
	vm0 =	veq.f32 v11, v21  }
0x80: {  	v63 =	vsel vm10, $0x3F800000, v0;
	v3 =	vsel vm0, $0x1, v3;
	vm0 =	veq.f32 v10, v21  }
0x81: {  	v7 =	vsel vm1, $0x3F800000, v0;
	v36 =	vsel vm15, $0x3F800000, v0;
	v3 =	vsel vm0, $0x0, v3;
	v5 =	vpop (erf)  }
0x82: {  	v41 =	vsel vm11, $0x3F800000, v0;
	vm0 =	veq.s32 v3, $0x0;
	v4 =	vmul.f32 v5, v43  }
0x83: {  	[tilespmem:s23+$0x0] =	vst v3;
	vm4 =	veq.s32 v3, $0x3;
	vm6 =	veq.s32 v3, $0x5;
	v5 =	vmul.f32 v5, v20  }
0x84: {  	vm7 =	veq.s32 v3, $0x8;
	vm8 =	veq.s32 v3, $0x9;
	vm10 =	veq.s32 v3, $0xA;
	[tilespmem:s22+$0x0] =	vst v4  }
0x85: {  	vm11 =	veq.s32 v3, $0xB;
	vm12 =	veq.s32 v3, $0xC;
	vm13 =	veq.s32 v3, $0xD;
	[tilespmem:s21+$0x0] =	vst v5  }
0x86: {  	vm14 =	veq.s32 v3, $0xE;
	vm15 =	veq.s32 v3, $0xF;
	v46 =	vsel vm0, $0x3F800000, v0;
	v52 =	vld [tilespmem:$0x2800]  }
0x87: {  	vm0 =	veq.s32 v3, $0x1;
	v53 =	vsel vm4, $0x3F800000, v0;
	vm4 =	veq.s32 v3, $0x4;
	v55 =	vld [tilespmem:$0x2880]  }
0x88: {  	v59 =	vsel vm6, $0x3F800000, v0;
	vm6 =	veq.s32 v3, $0x7;
	v28 =	vsel vm7, $0x3F800000, v0;
	v58 =	vld [tilespmem:$0x2900]  }
0x89: {  	v48 =	vsel vm0, $0x3F800000, v0;
	vm0 =	veq.s32 v3, $0x2;
	v2 =	vadd.f32 v46, v2;
	v62 =	vld [tilespmem:$0x2980]  }
0x8a: {  	v9 =	vadd.f32 v53, v51;
	v50 =	vsel vm0, $0x3F800000, v0;
	v4 =	vadd.f32 v48, v7;
	v25 =	vld [tilespmem:$0x2A00]  }
0x8b: {  	v56 =	vsel vm4, $0x3F800000, v0;
	v5 =	vadd.f32 v50, v49;
	v30 =	vld [tilespmem:$0x2B00];
	v2 =	vadd.f32 v2, v52  }
0x8c: {  	vm4 =	veq.s32 v3, $0x6;
	v33 =	vadd.f32 v59, v57;
	v35 =	vld [tilespmem:$0x2C00];
	v4 =	vadd.f32 v4, v55  }
0x8d: {  	v61 =	vsel vm4, $0x3F800000, v0;
	v29 =	vadd.f32 v56, v54;
	v26 =	vld [tilespmem:$0x2A80];
	v5 =	vadd.f32 v5, v58;
	[tilespmem:$0x2800] =	vst v2  }
0x8e: {  	v32 =	vsel vm8, $0x3F800000, v0;
	v38 =	vadd.f32 v61, v60;
	v40 =	vld [tilespmem:$0x2C80];
	v6 =	vadd.f32 v9, v62;
	[tilespmem:$0x2880] =	vst v4  }
0x8f: {  	v24 =	vsel vm6, $0x3F800000, v0;
	v44 =	vadd.f32 v28, v27;
	v61 =	vld [tilespmem:$0x2F80];
	v8 =	vadd.f32 v29, v25;
	[tilespmem:$0x2900] =	vst v5  }
0x90: {  	v3 =	vsel vm15, $0x3F800000, v0;
	v39 =	vadd.f32 v24, v63;
	v34 =	vld [tilespmem:$0x2B80];
	v43 =	vadd.f32 v38, v30;
	[tilespmem:$0x2980] =	vst v6  }
0x91: {  	v63 =	vsel vm2, $0x3F800000, v0;
	v50 =	vadd.f32 v32, v31;
	v45 =	vld [tilespmem:$0x2D00];
	v49 =	vadd.f32 v44, v35;
	[tilespmem:$0x2A00] =	vst v8  }
0x92: {  	v37 =	vsel vm10, $0x3F800000, v0;
	v3 =	vadd.f32 v3, v63;
	v46 =	vld [tilespmem:$0x2D80];
	v2 =	vadd.f32 v33, v26;
	[tilespmem:$0x2B00] =	vst v43  }
0x93: {  	v42 =	vsel vm11, $0x3F800000, v0;
	v53 =	vsel vm13, $0x3F800000, v0;
	v51 =	vld [tilespmem:$0x2E00];
	v54 =	vadd.f32 v50, v40;
	[tilespmem:$0x2C00] =	vst v49  }
0x94: {  	v57 =	vsel vm5, $0x3F800000, v0;
	v56 =	vld [tilespmem:$0x2E80];
	v3 =	vadd.f32 v3, v61;
	[tilespmem:$0x2A80] =	vst v2;
	v2 =	vadd.f32 v37, v36  }
0x95: {  	v48 =	vsel vm12, $0x3F800000, v0;
	v55 =	vadd.f32 v42, v41;
	v58 =	vld [tilespmem:$0x2F00];
	v4 =	vadd.f32 v39, v34;
	[tilespmem:$0x2C80] =	vst v54  }
0x96: {  	v60 =	vadd.f32 v48, v47;
	v52 =	vsel vm9, $0x3F800000, v0;
	[tilespmem:$0x2F80] =	vst v3;
	v2 =	vadd.f32 v2, v45  }
0x97: {  	p0 =	sne.s32 s26, $0x1F0;
	v59 =	vsel vm14, $0x3F800000, v0;
	v62 =	vadd.f32 v53, v52;
	v6 =	vadd.f32 v55, v46;
	[tilespmem:$0x2B80] =	vst v4  }
.Ltmp0:
0x98: {  	v4 =	vadd.f32 v59, v57;
	[tilespmem:$0x2D00] =	vst v2;
	v2 =	vadd.f32 v60, v51;
	(pc) =	sbr.rel @p0 .LBB2_2-.Ltmp0, $4  }
0x99: {  	v5 =	vadd.f32 v62, v56;
	[tilespmem:$0x2D80] =	vst v6  }
0x9a: {  	[tilespmem:$0x2E00] =	vst v2;
	v2 =	vadd.f32 v4, v58  }
0x9b: {  	s25 =	sadd.s32 $0x80, s25;
	s26 =	sadd.s32 $0x10, s26;
	s24 =	sadd.s32 $0x10, s24;
	[tilespmem:$0x2E80] =	vst v5  }
0x9c: {  	s23 =	sadd.s32 $0x10, s23;
	s22 =	sadd.s32 $0x10, s22;
	s21 =	sadd.s32 $0x10, s21;
	[tilespmem:$0x2F00] =	vst v2  }
0x9d: {  	[hbm4b:s4+s13] =	stream.strided.scatter [tilespmem:s15], [sflag:$0x1], $0x200, s14, s13, $0x38;
	[tilespmem:$0x3000] =	vst v63  }
0x9e: {  	_ =	swait.ge [sflag:s12], $0x200  }
0x9f: {  	[sflag:s12] =	ssyncset.done $0x0  }
0xa0: {  	[sflag:s12] =	ssyncadd.s32 $0xFFFFFE00  }
0xa1: {  	[hbm4b:s5+s13] =	stream.strided.scatter [tilespmem:s16], [sflag:$0x1], $0x200, s14, s13, $0x38;
	[tilespmem:$0x3000] =	vst v63  }
0xa2: {  	_ =	swait.ge [sflag:s12], $0x200  }
0xa3: {  	[sflag:s12] =	ssyncset.done $0x0  }
0xa4: {  	[sflag:s12] =	ssyncadd.s32 $0xFFFFFE00  }
0xa5: {  	[hbm4b:s6+s13] =	stream.strided.scatter [tilespmem:s17], [sflag:$0x1], $0x200, s14, s13, $0x38;
	[tilespmem:$0x3000] =	vst v63  }
0xa6: {  	_ =	swait.ge [sflag:s12], $0x200  }
0xa7: {  	[sflag:s12] =	ssyncset.done $0x0  }
0xa8: {  	[sflag:s12] =	ssyncadd.s32 $0xFFFFFE00  }
0xa9: {  	[hbm4b:s7+s13] =	stream.strided.scatter [tilespmem:s18], [sflag:$0x1], $0x200, s14, s13, $0x38;
	[tilespmem:$0x3000] =	vst v63  }
0xaa: {  	s20 =	sadd.s32 $0x1, s20;
	_ =	swait.ge [sflag:s12], $0x200  }
0xab: {  	p0 =	sne.s32 s20, s9;
	[sflag:s12] =	ssyncset.done $0x0  }
.Ltmp1:
0xac: {  	[sflag:s12] =	ssyncadd.s32 $0xFFFFFE00;
	(pc) =	sbr.rel @p0 .LBB2_1-.Ltmp1, $4  }
0xad: {  	[hbm4b:s8+s2] =	stream.linear.scatter [tilespmem:s19], [sflag:$0x1], $0x800, $0x38;
	[tilespmem:$0x3000] =	vst v63  }
0xae: {  	_ =	swait.ge [sflag:s12], $0x800  }
0xaf: {  	[sflag:s12] =	ssyncset.done $0x0  }
0xb0: {  	[sflag:s12] =	ssyncadd.s32 $0xFFFFF800  }
0xb1: {  	_ =	sfence.sel $0x180000  }
0xb2: {  	[bflag:$0x0] =	sbarrier.arrive $0xFFFF  }
0xb3: {  	p0 =	sne.s32 s0, $0x0;
	_ =	strace $0x90000047  }
0xb4: {  	s0 =	sadd.s32 @!p0 $0x100000, s1;
	[bflag:$0x2] =	sbarrier.arrive $0xFFFF  }
0xb5: {  	[sflag:s0] =	ssyncadd.tile.s32 @!p0 $0x1;
	_ =	shalt  }
.Lfunc_end2:
_tile_overlayer_lowered:
.L_overlay_start_2:
0xb6: {  	(tag) =	ssettag $0x2  }
0xb7: {  	s0 =	rddreg [dreg:$0x0];
	s2 =	stileid.u32  }
0xb8: {  	s1 =	rddreg [dreg:$0x1];
	p0 =	sne.s32 s2, $0x0  }
0xb9: {  	s3 =	rddreg [dreg:$0x2];
	[bflag:$0x3] =	sbarrier.arrive $0xFFFF;
	s2 =	simm.s32 @!p0 $0x1C01  }
0xba: {  	[timem:s3], [sflag:s2] =	dma.local @!p0 [hbm:s0], s1  }
0xbb: {  	s0 =	simm.s32 @!p0 $0x1  }
0xbc: {  	_ =	swait.ge @!p0 [sflag:s0], s1  }
0xbd: {  	s1 =	ssub.s32 @!p0 $0x0, s1;
	[sflag:s0] =	ssyncset.done @!p0 $0x0  }
0xbe: {  	[sflag:s0] =	ssyncadd.s32 @!p0 s1  }
0xbf: {  	[bflag:$0x3] =	sbarrier.arrive $0xFFFF  }
0xc0: {  	_ =	shalt  }

</sc_bundles>
